<compile_context>
chip_gen: v7x
topology: tpu7x:2x2x1
jax: 0.10.2.dev20260603
libtpu: 0.0.44.dev20260713+nightly
codegen_flags: <defaults>
</compile_context>

<pallas_src>
import jax
import jax.numpy as jnp
from jax import lax
from jax.experimental import pallas as pl
from jax.experimental.pallas import tpu as pltpu
from jax.experimental.pallas import tpu_sc as plsc
import functools

RES_F = 100000.0
VOCAB = 100000
EMBED = 64
NW = 32
ROWS_PER_W = 512
N_CHUNK = 8
CHUNK = 128

TL = 3328
TGRID = (VOCAB + TL - 1) // TL
VPAD = TGRID * TL

_MESH = plsc.VectorSubcoreMesh(core_axis_name="c", subcore_axis_name="s")


def _tc_relayout_body(tt_ref, out_ref):
    t = tt_ref[...].T
    out_ref[...] = jnp.concatenate([t, t], axis=1)


_tc_relayout = pl.pallas_call(
    _tc_relayout_body,
    out_shape=jax.ShapeDtypeStruct((VPAD, 2 * EMBED), jnp.float32),
    grid=(TGRID,),
    in_specs=[pl.BlockSpec((EMBED, TL), lambda g: (0, g))],
    out_specs=pl.BlockSpec((TL, 2 * EMBED), lambda g: (g, 0)),
    compiler_params=pltpu.CompilerParams(
        dimension_semantics=("parallel",)),
)


@functools.partial(
    pl.kernel,
    mesh=_MESH,
    out_type=jax.ShapeDtypeStruct((NW * ROWS_PER_W, 2 * EMBED), jnp.float32),
    scratch_types=[
        pltpu.VMEM((2, ROWS_PER_W), jnp.float32),
        pltpu.VMEM((N_CHUNK, CHUNK), jnp.int32),
        pltpu.VMEM((2 * ROWS_PER_W, EMBED), jnp.float32),
        pltpu.SemaphoreType.DMA,
    ],
    compiler_params=pltpu.CompilerParams(
        use_tc_tiling_on_sc=False, needs_layout_passes=False),
)
def _sc_embed(xt_hbm, table_hbm, out_hbm, xv, idxv, rows, sem):
    wid = lax.axis_index("s") * 2 + lax.axis_index("c")
    nb = wid * ROWS_PER_W

    pltpu.sync_copy(xt_hbm.at[:, pl.ds(nb, ROWS_PER_W)], xv)
    for j in range(N_CHUNK // 2):
        def body(i, _):
            off = j * CHUNK + i * 16
            idxv[j, pl.ds(i * 16, 16)] = (
                xv[0, pl.ds(off, 16)] * RES_F).astype(jnp.int32) * 2
            idxv[j + N_CHUNK // 2, pl.ds(i * 16, 16)] = (
                xv[1, pl.ds(off, 16)] * RES_F).astype(jnp.int32) * 2
            return 0
        lax.fori_loop(0, CHUNK // 16, body, 0)

    copies = []
    for j in range(N_CHUNK):
        copies.append(
            pltpu.async_copy(
                table_hbm.at[idxv.at[j]],
                rows.at[pl.ds(j * CHUNK, CHUNK)],
                sem,
            )
        )
    for c in copies:
        c.wait()

    pltpu.sync_copy(rows.at[pl.ds(0, ROWS_PER_W)],
                    out_hbm.at[pl.ds(nb, ROWS_PER_W), pl.ds(0, EMBED)])
    pltpu.sync_copy(rows.at[pl.ds(ROWS_PER_W, ROWS_PER_W)],
                    out_hbm.at[pl.ds(nb, ROWS_PER_W), pl.ds(EMBED, EMBED)])


def kernel(x, table):
    dup = _tc_relayout(table.T)
    return _sc_embed(x.T, dup.reshape(2 * VPAD, EMBED))

# --- scband reference (transcript-rebuilt; emitter-appended) ---
"""Pipeline reference for scband-cartesian-embedding-6347961663938 (READ-ONLY COPY).

The authoritative reference and input builder live on the scoring server;
editing this copy changes nothing except your own understanding.
"""

import jax, jax.numpy as jnp
import numpy as np

RES = 100000
EMBED_DIM = 64
BATCH = 16384

def setup_inputs(seed: int = 0) -> dict:
    key = jax.random.key(seed)
    k1, k2 = jax.random.split(key)
    x = jax.random.uniform(k1, (BATCH, 2), dtype=jnp.float32)  # coords in [0,1)
    table = jax.random.normal(k2, (RES, EMBED_DIM), dtype=jnp.float32)  # nn.Embedding weight
    return {"x": x, "table": table}

def reference(x, table):
    # indexify: floor(coord * res) for each of the 2 coordinates -> int indices [N, 2]
    idx = jnp.floor(x * RES).astype(jnp.int32)
    # embedding lookup (gather) -> [N, 2, embed_dim]
    emb = jnp.take(table, idx, axis=0)
    # reshape to [N, 2*embed_dim]
    return emb.reshape(-1, 2 * EMBED_DIM)

if __name__ == "__main__":
    import jax
    _d = setup_inputs()
    print(jax.jit(kernel)(*tuple(_d.values())))

</pallas_src>

<mosaic_0001>
#map = affine_map<(d0, d1) -> (0, 0)>
module attributes {stable_mosaic.version = 14 : i64} {
  func.func @_sc_embed(%arg0: i32, %arg1: i32, %arg2: memref<2x16384xf32, #tpu.memory_space<hbm>>, %arg3: memref<206336x64xf32, #tpu.memory_space<hbm>>, %arg4: memref<16384x128xf32, #tpu.memory_space<hbm>>, %arg5: memref<2x512xf32, #tpu.memory_space<vmem>>, %arg6: memref<8x128xi32, #tpu.memory_space<vmem>>, %arg7: memref<1024x64xf32, #tpu.memory_space<vmem>>, %arg8: memref<!tpu.dma_semaphore, #tpu.memory_space<semaphore_mem>>) attributes {dimension_semantics = [#tpu.dimension_semantics<core_parallel>, #tpu.dimension_semantics<subcore_parallel>], iteration_bounds = array<i64: 2, 16>, scalar_prefetch = 0 : i64, scratch_operands = 4 : i64, tpu.core_type = #tpu.core_type<sc_vector_subcore>, window_params = [{transform_indices = #map}, {transform_indices = #map}, {transform_indices = #map}]} {
    %mul3A = arith.constant 2 : i32
    %mul3A_0 = arith.muli %arg1, %mul3A : i32
    %add3A = arith.addi %mul3A_0, %arg0 : i32
    %mul3A_1 = arith.constant 512 : i32
    %mul3A_2 = arith.muli %add3A, %mul3A_1 : i32
    "tpu.region"() ({
      %run_scoped3A = tpu.sem_alloc : memref<!tpu.dma_semaphore, #tpu.memory_space<semaphore_mem>>
      %dma_start3A_188 = arith.constant 0 : i32
      %dma_start3A_189 = tpu.memref_slice %arg2[%dma_start3A_188, %mul3A_2] : memref<2x16384xf32, #tpu.memory_space<hbm>> -> memref<2x512xf32, #tpu.memory_space<hbm>>
      %dma_start3A_190 = arith.constant 0 : i32
      %dma_start3A_191 = tpu.memref_slice %arg2[%dma_start3A_190, %mul3A_2] : memref<2x16384xf32, #tpu.memory_space<hbm>> -> memref<2x512xf32, #tpu.memory_space<hbm>>
      tpu.enqueue_dma source(%dma_start3A_191 : memref<2x512xf32, #tpu.memory_space<hbm>>) target(%arg5 : memref<2x512xf32, #tpu.memory_space<vmem>>) target_semaphore(%run_scoped3A : memref<!tpu.dma_semaphore, #tpu.memory_space<semaphore_mem>>)
      %dma_wait3A_192 = arith.constant 0 : i32
      %dma_wait3A_193 = tpu.memref_slice %arg2[%dma_wait3A_192, %mul3A_2] : memref<2x16384xf32, #tpu.memory_space<hbm>> -> memref<2x512xf32, #tpu.memory_space<hbm>>
      %dma_wait3A_194 = arith.constant 0 : i32
      %dma_wait3A_195 = tpu.memref_slice %arg2[%dma_wait3A_194, %mul3A_2] : memref<2x16384xf32, #tpu.memory_space<hbm>> -> memref<2x512xf32, #tpu.memory_space<hbm>>
      tpu.wait_dma2 semaphore(%run_scoped3A : memref<!tpu.dma_semaphore, #tpu.memory_space<semaphore_mem>>) src(%dma_wait3A_195 : memref<2x512xf32, #tpu.memory_space<hbm>>) dst(%arg5 : memref<2x512xf32, #tpu.memory_space<vmem>>)
      tpu.yield
    }) : () -> ()
    %scan3A = arith.constant 0 : i32
    %scan3A_3 = arith.constant 0 : i32
    %scan3A_4 = arith.constant 8 : i32
    %scan3A_5 = arith.addi %scan3A_3, %scan3A_4 : i32
    %scan3A_6 = arith.constant 1 : i32
    %scan3A_7 = scf.for %scan3A_188 = %scan3A_3 to %scan3A_5 step %scan3A_6 iter_args(%scan3A_189 = %scan3A) -> (i32)  : i32 {
      %mul3A_190 = arith.constant 16 : i32
      %mul3A_191 = arith.muli %scan3A_188, %mul3A_190 : i32
      %add3A_192 = arith.constant 0 : i32
      %add3A_193 = arith.addi %add3A_192, %mul3A_191 : i32
      %get3A = arith.constant 0 : i32
      %get3A_194 = arith.index_cast %get3A : i32 to index
      %get3A_195 = arith.index_cast %add3A_193 : i32 to index
      %get3A_196 = tpu.vector_load %arg5[%get3A_194, %get3A_195] {strides = array<i32>} : memref<2x512xf32, #tpu.memory_space<vmem>>, vector<16xf32>,
      %mul3A_197 = arith.constant 1.000000e+05 : f32
      %mul3A_198 = vector.broadcast %mul3A_197 : f32 to vector<16xf32>
      %mul3A_199 = arith.mulf %get3A_196, %mul3A_198 : vector<16xf32>
      %convert_element_type3A = arith.fptosi %mul3A_199 : vector<16xf32> to vector<16xi32>
      %mul3A_200 = arith.constant 2 : i32
      %mul3A_201 = vector.broadcast %mul3A_200 : i32 to vector<16xi32>
      %mul3A_202 = arith.muli %convert_element_type3A, %mul3A_201 : vector<16xi32>
      %mul3A_203 = arith.constant 16 : i32
      %mul3A_204 = arith.muli %scan3A_188, %mul3A_203 : i32
      %swap3A = arith.constant 0 : i32
      %swap3A_205 = arith.index_cast %swap3A : i32 to index
      %swap3A_206 = arith.index_cast %mul3A_204 : i32 to index
      %swap3A_207 = tpu.vector_load %arg6[%swap3A_205, %swap3A_206] {strides = array<i32>} : memref<8x128xi32, #tpu.memory_space<vmem>>, vector<16xi32>,
      tpu.vector_store %arg6[%swap3A_205, %swap3A_206], %mul3A_202 {strides = array<i32>} : memref<8x128xi32, #tpu.memory_space<vmem>>, vector<16xi32>,
      %get3A_208 = arith.constant 1 : i32
      %get3A_209 = arith.index_cast %get3A_208 : i32 to index
      %get3A_210 = arith.index_cast %add3A_193 : i32 to index
      %get3A_211 = tpu.vector_load %arg5[%get3A_209, %get3A_210] {strides = array<i32>} : memref<2x512xf32, #tpu.memory_space<vmem>>, vector<16xf32>,
      %mul3A_212 = arith.constant 1.000000e+05 : f32
      %mul3A_213 = vector.broadcast %mul3A_212 : f32 to vector<16xf32>
      %mul3A_214 = arith.mulf %get3A_211, %mul3A_213 : vector<16xf32>
      %convert_element_type3A_215 = arith.fptosi %mul3A_214 : vector<16xf32> to vector<16xi32>
      %mul3A_216 = arith.constant 2 : i32
      %mul3A_217 = vector.broadcast %mul3A_216 : i32 to vector<16xi32>
      %mul3A_218 = arith.muli %convert_element_type3A_215, %mul3A_217 : vector<16xi32>
      %mul3A_219 = arith.constant 16 : i32
      %mul3A_220 = arith.muli %scan3A_188, %mul3A_219 : i32
      %swap3A_221 = arith.constant 4 : i32
      %swap3A_222 = arith.index_cast %swap3A_221 : i32 to index
      %swap3A_223 = arith.index_cast %mul3A_220 : i32 to index
      %swap3A_224 = tpu.vector_load %arg6[%swap3A_222, %swap3A_223] {strides = array<i32>} : memref<8x128xi32, #tpu.memory_space<vmem>>, vector<16xi32>,
      tpu.vector_store %arg6[%swap3A_222, %swap3A_223], %mul3A_218 {strides = array<i32>} : memref<8x128xi32, #tpu.memory_space<vmem>>, vector<16xi32>,
      %scan3A_225 = arith.constant 0 : i32
      scf.yield %scan3A_225 : i32
    }
    %scan3A_8 = arith.constant 8 : i32
    %scan3A_9 = arith.constant 0 : i32
    %scan3A_10 = arith.constant 0 : i32
    %scan3A_11 = arith.constant 8 : i32
    %scan3A_12 = arith.addi %scan3A_10, %scan3A_11 : i32
    %scan3A_13 = arith.constant 1 : i32
    %scan3A_14 = scf.for %scan3A_188 = %scan3A_10 to %scan3A_12 step %scan3A_13 iter_args(%scan3A_189 = %scan3A_9) -> (i32)  : i32 {
      %mul3A_190 = arith.constant 16 : i32
      %mul3A_191 = arith.muli %scan3A_188, %mul3A_190 : i32
      %add3A_192 = arith.constant 128 : i32
      %add3A_193 = arith.addi %add3A_192, %mul3A_191 : i32
      %get3A = arith.constant 0 : i32
      %get3A_194 = arith.index_cast %get3A : i32 to index
      %get3A_195 = arith.index_cast %add3A_193 : i32 to index
      %get3A_196 = tpu.vector_load %arg5[%get3A_194, %get3A_195] {strides = array<i32>} : memref<2x512xf32, #tpu.memory_space<vmem>>, vector<16xf32>,
      %mul3A_197 = arith.constant 1.000000e+05 : f32
      %mul3A_198 = vector.broadcast %mul3A_197 : f32 to vector<16xf32>
      %mul3A_199 = arith.mulf %get3A_196, %mul3A_198 : vector<16xf32>
      %convert_element_type3A = arith.fptosi %mul3A_199 : vector<16xf32> to vector<16xi32>
      %mul3A_200 = arith.constant 2 : i32
      %mul3A_201 = vector.broadcast %mul3A_200 : i32 to vector<16xi32>
      %mul3A_202 = arith.muli %convert_element_type3A, %mul3A_201 : vector<16xi32>
      %mul3A_203 = arith.constant 16 : i32
      %mul3A_204 = arith.muli %scan3A_188, %mul3A_203 : i32
      %swap3A = arith.constant 1 : i32
      %swap3A_205 = arith.index_cast %swap3A : i32 to index
      %swap3A_206 = arith.index_cast %mul3A_204 : i32 to index
      %swap3A_207 = tpu.vector_load %arg6[%swap3A_205, %swap3A_206] {strides = array<i32>} : memref<8x128xi32, #tpu.memory_space<vmem>>, vector<16xi32>,
      tpu.vector_store %arg6[%swap3A_205, %swap3A_206], %mul3A_202 {strides = array<i32>} : memref<8x128xi32, #tpu.memory_space<vmem>>, vector<16xi32>,
      %get3A_208 = arith.constant 1 : i32
      %get3A_209 = arith.index_cast %get3A_208 : i32 to index
      %get3A_210 = arith.index_cast %add3A_193 : i32 to index
      %get3A_211 = tpu.vector_load %arg5[%get3A_209, %get3A_210] {strides = array<i32>} : memref<2x512xf32, #tpu.memory_space<vmem>>, vector<16xf32>,
      %mul3A_212 = arith.constant 1.000000e+05 : f32
      %mul3A_213 = vector.broadcast %mul3A_212 : f32 to vector<16xf32>
      %mul3A_214 = arith.mulf %get3A_211, %mul3A_213 : vector<16xf32>
      %convert_element_type3A_215 = arith.fptosi %mul3A_214 : vector<16xf32> to vector<16xi32>
      %mul3A_216 = arith.constant 2 : i32
      %mul3A_217 = vector.broadcast %mul3A_216 : i32 to vector<16xi32>
      %mul3A_218 = arith.muli %convert_element_type3A_215, %mul3A_217 : vector<16xi32>
      %mul3A_219 = arith.constant 16 : i32
      %mul3A_220 = arith.muli %scan3A_188, %mul3A_219 : i32
      %swap3A_221 = arith.constant 5 : i32
      %swap3A_222 = arith.index_cast %swap3A_221 : i32 to index
      %swap3A_223 = arith.index_cast %mul3A_220 : i32 to index
      %swap3A_224 = tpu.vector_load %arg6[%swap3A_222, %swap3A_223] {strides = array<i32>} : memref<8x128xi32, #tpu.memory_space<vmem>>, vector<16xi32>,
      tpu.vector_store %arg6[%swap3A_222, %swap3A_223], %mul3A_218 {strides = array<i32>} : memref<8x128xi32, #tpu.memory_space<vmem>>, vector<16xi32>,
      %scan3A_225 = arith.constant 0 : i32
      scf.yield %scan3A_225 : i32
    }
    %scan3A_15 = arith.constant 8 : i32
    %scan3A_16 = arith.constant 0 : i32
    %scan3A_17 = arith.constant 0 : i32
    %scan3A_18 = arith.constant 8 : i32
    %scan3A_19 = arith.addi %scan3A_17, %scan3A_18 : i32
    %scan3A_20 = arith.constant 1 : i32
    %scan3A_21 = scf.for %scan3A_188 = %scan3A_17 to %scan3A_19 step %scan3A_20 iter_args(%scan3A_189 = %scan3A_16) -> (i32)  : i32 {
      %mul3A_190 = arith.constant 16 : i32
      %mul3A_191 = arith.muli %scan3A_188, %mul3A_190 : i32
      %add3A_192 = arith.constant 256 : i32
      %add3A_193 = arith.addi %add3A_192, %mul3A_191 : i32
      %get3A = arith.constant 0 : i32
      %get3A_194 = arith.index_cast %get3A : i32 to index
      %get3A_195 = arith.index_cast %add3A_193 : i32 to index
      %get3A_196 = tpu.vector_load %arg5[%get3A_194, %get3A_195] {strides = array<i32>} : memref<2x512xf32, #tpu.memory_space<vmem>>, vector<16xf32>,
      %mul3A_197 = arith.constant 1.000000e+05 : f32
      %mul3A_198 = vector.broadcast %mul3A_197 : f32 to vector<16xf32>
      %mul3A_199 = arith.mulf %get3A_196, %mul3A_198 : vector<16xf32>
      %convert_element_type3A = arith.fptosi %mul3A_199 : vector<16xf32> to vector<16xi32>
      %mul3A_200 = arith.constant 2 : i32
      %mul3A_201 = vector.broadcast %mul3A_200 : i32 to vector<16xi32>
      %mul3A_202 = arith.muli %convert_element_type3A, %mul3A_201 : vector<16xi32>
      %mul3A_203 = arith.constant 16 : i32
      %mul3A_204 = arith.muli %scan3A_188, %mul3A_203 : i32
      %swap3A = arith.constant 2 : i32
      %swap3A_205 = arith.index_cast %swap3A : i32 to index
      %swap3A_206 = arith.index_cast %mul3A_204 : i32 to index
      %swap3A_207 = tpu.vector_load %arg6[%swap3A_205, %swap3A_206] {strides = array<i32>} : memref<8x128xi32, #tpu.memory_space<vmem>>, vector<16xi32>,
      tpu.vector_store %arg6[%swap3A_205, %swap3A_206], %mul3A_202 {strides = array<i32>} : memref<8x128xi32, #tpu.memory_space<vmem>>, vector<16xi32>,
      %get3A_208 = arith.constant 1 : i32
      %get3A_209 = arith.index_cast %get3A_208 : i32 to index
      %get3A_210 = arith.index_cast %add3A_193 : i32 to index
      %get3A_211 = tpu.vector_load %arg5[%get3A_209, %get3A_210] {strides = array<i32>} : memref<2x512xf32, #tpu.memory_space<vmem>>, vector<16xf32>,
      %mul3A_212 = arith.constant 1.000000e+05 : f32
      %mul3A_213 = vector.broadcast %mul3A_212 : f32 to vector<16xf32>
      %mul3A_214 = arith.mulf %get3A_211, %mul3A_213 : vector<16xf32>
      %convert_element_type3A_215 = arith.fptosi %mul3A_214 : vector<16xf32> to vector<16xi32>
      %mul3A_216 = arith.constant 2 : i32
      %mul3A_217 = vector.broadcast %mul3A_216 : i32 to vector<16xi32>
      %mul3A_218 = arith.muli %convert_element_type3A_215, %mul3A_217 : vector<16xi32>
      %mul3A_219 = arith.constant 16 : i32
      %mul3A_220 = arith.muli %scan3A_188, %mul3A_219 : i32
      %swap3A_221 = arith.constant 6 : i32
      %swap3A_222 = arith.index_cast %swap3A_221 : i32 to index
      %swap3A_223 = arith.index_cast %mul3A_220 : i32 to index
      %swap3A_224 = tpu.vector_load %arg6[%swap3A_222, %swap3A_223] {strides = array<i32>} : memref<8x128xi32, #tpu.memory_space<vmem>>, vector<16xi32>,
      tpu.vector_store %arg6[%swap3A_222, %swap3A_223], %mul3A_218 {strides = array<i32>} : memref<8x128xi32, #tpu.memory_space<vmem>>, vector<16xi32>,
      %scan3A_225 = arith.constant 0 : i32
      scf.yield %scan3A_225 : i32
    }
    %scan3A_22 = arith.constant 8 : i32
    %scan3A_23 = arith.constant 0 : i32
    %scan3A_24 = arith.constant 0 : i32
    %scan3A_25 = arith.constant 8 : i32
    %scan3A_26 = arith.addi %scan3A_24, %scan3A_25 : i32
    %scan3A_27 = arith.constant 1 : i32
    %scan3A_28 = scf.for %scan3A_188 = %scan3A_24 to %scan3A_26 step %scan3A_27 iter_args(%scan3A_189 = %scan3A_23) -> (i32)  : i32 {
      %mul3A_190 = arith.constant 16 : i32
      %mul3A_191 = arith.muli %scan3A_188, %mul3A_190 : i32
      %add3A_192 = arith.constant 384 : i32
      %add3A_193 = arith.addi %add3A_192, %mul3A_191 : i32
      %get3A = arith.constant 0 : i32
      %get3A_194 = arith.index_cast %get3A : i32 to index
      %get3A_195 = arith.index_cast %add3A_193 : i32 to index
      %get3A_196 = tpu.vector_load %arg5[%get3A_194, %get3A_195] {strides = array<i32>} : memref<2x512xf32, #tpu.memory_space<vmem>>, vector<16xf32>,
      %mul3A_197 = arith.constant 1.000000e+05 : f32
      %mul3A_198 = vector.broadcast %mul3A_197 : f32 to vector<16xf32>
      %mul3A_199 = arith.mulf %get3A_196, %mul3A_198 : vector<16xf32>
      %convert_element_type3A = arith.fptosi %mul3A_199 : vector<16xf32> to vector<16xi32>
      %mul3A_200 = arith.constant 2 : i32
      %mul3A_201 = vector.broadcast %mul3A_200 : i32 to vector<16xi32>
      %mul3A_202 = arith.muli %convert_element_type3A, %mul3A_201 : vector<16xi32>
      %mul3A_203 = arith.constant 16 : i32
      %mul3A_204 = arith.muli %scan3A_188, %mul3A_203 : i32
      %swap3A = arith.constant 3 : i32
      %swap3A_205 = arith.index_cast %swap3A : i32 to index
      %swap3A_206 = arith.index_cast %mul3A_204 : i32 to index
      %swap3A_207 = tpu.vector_load %arg6[%swap3A_205, %swap3A_206] {strides = array<i32>} : memref<8x128xi32, #tpu.memory_space<vmem>>, vector<16xi32>,
      tpu.vector_store %arg6[%swap3A_205, %swap3A_206], %mul3A_202 {strides = array<i32>} : memref<8x128xi32, #tpu.memory_space<vmem>>, vector<16xi32>,
      %get3A_208 = arith.constant 1 : i32
      %get3A_209 = arith.index_cast %get3A_208 : i32 to index
      %get3A_210 = arith.index_cast %add3A_193 : i32 to index
      %get3A_211 = tpu.vector_load %arg5[%get3A_209, %get3A_210] {strides = array<i32>} : memref<2x512xf32, #tpu.memory_space<vmem>>, vector<16xf32>,
      %mul3A_212 = arith.constant 1.000000e+05 : f32
      %mul3A_213 = vector.broadcast %mul3A_212 : f32 to vector<16xf32>
      %mul3A_214 = arith.mulf %get3A_211, %mul3A_213 : vector<16xf32>
      %convert_element_type3A_215 = arith.fptosi %mul3A_214 : vector<16xf32> to vector<16xi32>
      %mul3A_216 = arith.constant 2 : i32
      %mul3A_217 = vector.broadcast %mul3A_216 : i32 to vector<16xi32>
      %mul3A_218 = arith.muli %convert_element_type3A_215, %mul3A_217 : vector<16xi32>
      %mul3A_219 = arith.constant 16 : i32
      %mul3A_220 = arith.muli %scan3A_188, %mul3A_219 : i32
      %swap3A_221 = arith.constant 7 : i32
      %swap3A_222 = arith.index_cast %swap3A_221 : i32 to index
      %swap3A_223 = arith.index_cast %mul3A_220 : i32 to index
      %swap3A_224 = tpu.vector_load %arg6[%swap3A_222, %swap3A_223] {strides = array<i32>} : memref<8x128xi32, #tpu.memory_space<vmem>>, vector<16xi32>,
      tpu.vector_store %arg6[%swap3A_222, %swap3A_223], %mul3A_218 {strides = array<i32>} : memref<8x128xi32, #tpu.memory_space<vmem>>, vector<16xi32>,
      %scan3A_225 = arith.constant 0 : i32
      scf.yield %scan3A_225 : i32
    }
    %scan3A_29 = arith.constant 8 : i32
    %dma_start3A = arith.constant 0 : i32
    %dma_start3A_30 = arith.constant 0 : i32
    %dma_start3A_31 = arith.constant 0 : i32
    %dma_start3A_32 = tpu.memref_slice %arg7[%dma_start3A_30, %dma_start3A_31] : memref<1024x64xf32, #tpu.memory_space<vmem>> -> memref<128x64xf32, #tpu.memory_space<vmem>>
    %dma_start3A_33 = arith.constant 0 : i32
    %dma_start3A_34 = tpu.memref_slice %arg6[%dma_start3A, %dma_start3A_33] : memref<8x128xi32, #tpu.memory_space<vmem>> -> memref<1x128xi32, #tpu.memory_space<vmem>>
    %dma_start3A_35 = tpu.memref_squeeze %dma_start3A_34 : memref<1x128xi32, #tpu.memory_space<vmem>> -> memref<128xi32, #tpu.memory_space<vmem>>
    %dma_start3A_36 = arith.constant 0 : i32
    %dma_start3A_37 = arith.constant 0 : i32
    %dma_start3A_38 = tpu.memref_slice %arg3[%dma_start3A_36, %dma_start3A_37] : memref<206336x64xf32, #tpu.memory_space<hbm>> -> memref<206336x64xf32, #tpu.memory_space<hbm>>
    tpu.enqueue_indirect_dma source(%dma_start3A_38 : memref<206336x64xf32, #tpu.memory_space<hbm>>) target(%dma_start3A_32 : memref<128x64xf32, #tpu.memory_space<vmem>>) offsets(%dma_start3A_35 : memref<128xi32, #tpu.memory_space<vmem>>) semaphore(%arg8 : memref<!tpu.dma_semaphore, #tpu.memory_space<semaphore_mem>>)
    %dma_start3A_39 = arith.constant 1 : i32
    %dma_start3A_40 = arith.constant 128 : i32
    %dma_start3A_41 = arith.constant 0 : i32
    %dma_start3A_42 = tpu.memref_slice %arg7[%dma_start3A_40, %dma_start3A_41] : memref<1024x64xf32, #tpu.memory_space<vmem>> -> memref<128x64xf32, #tpu.memory_space<vmem>>
    %dma_start3A_43 = arith.constant 0 : i32
    %dma_start3A_44 = tpu.memref_slice %arg6[%dma_start3A_39, %dma_start3A_43] : memref<8x128xi32, #tpu.memory_space<vmem>> -> memref<1x128xi32, #tpu.memory_space<vmem>>
    %dma_start3A_45 = tpu.memref_squeeze %dma_start3A_44 : memref<1x128xi32, #tpu.memory_space<vmem>> -> memref<128xi32, #tpu.memory_space<vmem>>
    %dma_start3A_46 = arith.constant 0 : i32
    %dma_start3A_47 = arith.constant 0 : i32
    %dma_start3A_48 = tpu.memref_slice %arg3[%dma_start3A_46, %dma_start3A_47] : memref<206336x64xf32, #tpu.memory_space<hbm>> -> memref<206336x64xf32, #tpu.memory_space<hbm>>
    tpu.enqueue_indirect_dma source(%dma_start3A_48 : memref<206336x64xf32, #tpu.memory_space<hbm>>) target(%dma_start3A_42 : memref<128x64xf32, #tpu.memory_space<vmem>>) offsets(%dma_start3A_45 : memref<128xi32, #tpu.memory_space<vmem>>) semaphore(%arg8 : memref<!tpu.dma_semaphore, #tpu.memory_space<semaphore_mem>>)
    %dma_start3A_49 = arith.constant 2 : i32
    %dma_start3A_50 = arith.constant 256 : i32
    %dma_start3A_51 = arith.constant 0 : i32
    %dma_start3A_52 = tpu.memref_slice %arg7[%dma_start3A_50, %dma_start3A_51] : memref<1024x64xf32, #tpu.memory_space<vmem>> -> memref<128x64xf32, #tpu.memory_space<vmem>>
    %dma_start3A_53 = arith.constant 0 : i32
    %dma_start3A_54 = tpu.memref_slice %arg6[%dma_start3A_49, %dma_start3A_53] : memref<8x128xi32, #tpu.memory_space<vmem>> -> memref<1x128xi32, #tpu.memory_space<vmem>>
    %dma_start3A_55 = tpu.memref_squeeze %dma_start3A_54 : memref<1x128xi32, #tpu.memory_space<vmem>> -> memref<128xi32, #tpu.memory_space<vmem>>
    %dma_start3A_56 = arith.constant 0 : i32
    %dma_start3A_57 = arith.constant 0 : i32
    %dma_start3A_58 = tpu.memref_slice %arg3[%dma_start3A_56, %dma_start3A_57] : memref<206336x64xf32, #tpu.memory_space<hbm>> -> memref<206336x64xf32, #tpu.memory_space<hbm>>
    tpu.enqueue_indirect_dma source(%dma_start3A_58 : memref<206336x64xf32, #tpu.memory_space<hbm>>) target(%dma_start3A_52 : memref<128x64xf32, #tpu.memory_space<vmem>>) offsets(%dma_start3A_55 : memref<128xi32, #tpu.memory_space<vmem>>) semaphore(%arg8 : memref<!tpu.dma_semaphore, #tpu.memory_space<semaphore_mem>>)
    %dma_start3A_59 = arith.constant 3 : i32
    %dma_start3A_60 = arith.constant 384 : i32
    %dma_start3A_61 = arith.constant 0 : i32
    %dma_start3A_62 = tpu.memref_slice %arg7[%dma_start3A_60, %dma_start3A_61] : memref<1024x64xf32, #tpu.memory_space<vmem>> -> memref<128x64xf32, #tpu.memory_space<vmem>>
    %dma_start3A_63 = arith.constant 0 : i32
    %dma_start3A_64 = tpu.memref_slice %arg6[%dma_start3A_59, %dma_start3A_63] : memref<8x128xi32, #tpu.memory_space<vmem>> -> memref<1x128xi32, #tpu.memory_space<vmem>>
    %dma_start3A_65 = tpu.memref_squeeze %dma_start3A_64 : memref<1x128xi32, #tpu.memory_space<vmem>> -> memref<128xi32, #tpu.memory_space<vmem>>
    %dma_start3A_66 = arith.constant 0 : i32
    %dma_start3A_67 = arith.constant 0 : i32
    %dma_start3A_68 = tpu.memref_slice %arg3[%dma_start3A_66, %dma_start3A_67] : memref<206336x64xf32, #tpu.memory_space<hbm>> -> memref<206336x64xf32, #tpu.memory_space<hbm>>
    tpu.enqueue_indirect_dma source(%dma_start3A_68 : memref<206336x64xf32, #tpu.memory_space<hbm>>) target(%dma_start3A_62 : memref<128x64xf32, #tpu.memory_space<vmem>>) offsets(%dma_start3A_65 : memref<128xi32, #tpu.memory_space<vmem>>) semaphore(%arg8 : memref<!tpu.dma_semaphore, #tpu.memory_space<semaphore_mem>>)
    %dma_start3A_69 = arith.constant 4 : i32
    %dma_start3A_70 = arith.constant 512 : i32
    %dma_start3A_71 = arith.constant 0 : i32
    %dma_start3A_72 = tpu.memref_slice %arg7[%dma_start3A_70, %dma_start3A_71] : memref<1024x64xf32, #tpu.memory_space<vmem>> -> memref<128x64xf32, #tpu.memory_space<vmem>>
    %dma_start3A_73 = arith.constant 0 : i32
    %dma_start3A_74 = tpu.memref_slice %arg6[%dma_start3A_69, %dma_start3A_73] : memref<8x128xi32, #tpu.memory_space<vmem>> -> memref<1x128xi32, #tpu.memory_space<vmem>>
    %dma_start3A_75 = tpu.memref_squeeze %dma_start3A_74 : memref<1x128xi32, #tpu.memory_space<vmem>> -> memref<128xi32, #tpu.memory_space<vmem>>
    %dma_start3A_76 = arith.constant 0 : i32
    %dma_start3A_77 = arith.constant 0 : i32
    %dma_start3A_78 = tpu.memref_slice %arg3[%dma_start3A_76, %dma_start3A_77] : memref<206336x64xf32, #tpu.memory_space<hbm>> -> memref<206336x64xf32, #tpu.memory_space<hbm>>
    tpu.enqueue_indirect_dma source(%dma_start3A_78 : memref<206336x64xf32, #tpu.memory_space<hbm>>) target(%dma_start3A_72 : memref<128x64xf32, #tpu.memory_space<vmem>>) offsets(%dma_start3A_75 : memref<128xi32, #tpu.memory_space<vmem>>) semaphore(%arg8 : memref<!tpu.dma_semaphore, #tpu.memory_space<semaphore_mem>>)
    %dma_start3A_79 = arith.constant 5 : i32
    %dma_start3A_80 = arith.constant 640 : i32
    %dma_start3A_81 = arith.constant 0 : i32
    %dma_start3A_82 = tpu.memref_slice %arg7[%dma_start3A_80, %dma_start3A_81] : memref<1024x64xf32, #tpu.memory_space<vmem>> -> memref<128x64xf32, #tpu.memory_space<vmem>>
    %dma_start3A_83 = arith.constant 0 : i32
    %dma_start3A_84 = tpu.memref_slice %arg6[%dma_start3A_79, %dma_start3A_83] : memref<8x128xi32, #tpu.memory_space<vmem>> -> memref<1x128xi32, #tpu.memory_space<vmem>>
    %dma_start3A_85 = tpu.memref_squeeze %dma_start3A_84 : memref<1x128xi32, #tpu.memory_space<vmem>> -> memref<128xi32, #tpu.memory_space<vmem>>
    %dma_start3A_86 = arith.constant 0 : i32
    %dma_start3A_87 = arith.constant 0 : i32
    %dma_start3A_88 = tpu.memref_slice %arg3[%dma_start3A_86, %dma_start3A_87] : memref<206336x64xf32, #tpu.memory_space<hbm>> -> memref<206336x64xf32, #tpu.memory_space<hbm>>
    tpu.enqueue_indirect_dma source(%dma_start3A_88 : memref<206336x64xf32, #tpu.memory_space<hbm>>) target(%dma_start3A_82 : memref<128x64xf32, #tpu.memory_space<vmem>>) offsets(%dma_start3A_85 : memref<128xi32, #tpu.memory_space<vmem>>) semaphore(%arg8 : memref<!tpu.dma_semaphore, #tpu.memory_space<semaphore_mem>>)
    %dma_start3A_89 = arith.constant 6 : i32
    %dma_start3A_90 = arith.constant 768 : i32
    %dma_start3A_91 = arith.constant 0 : i32
    %dma_start3A_92 = tpu.memref_slice %arg7[%dma_start3A_90, %dma_start3A_91] : memref<1024x64xf32, #tpu.memory_space<vmem>> -> memref<128x64xf32, #tpu.memory_space<vmem>>
    %dma_start3A_93 = arith.constant 0 : i32
    %dma_start3A_94 = tpu.memref_slice %arg6[%dma_start3A_89, %dma_start3A_93] : memref<8x128xi32, #tpu.memory_space<vmem>> -> memref<1x128xi32, #tpu.memory_space<vmem>>
    %dma_start3A_95 = tpu.memref_squeeze %dma_start3A_94 : memref<1x128xi32, #tpu.memory_space<vmem>> -> memref<128xi32, #tpu.memory_space<vmem>>
    %dma_start3A_96 = arith.constant 0 : i32
    %dma_start3A_97 = arith.constant 0 : i32
    %dma_start3A_98 = tpu.memref_slice %arg3[%dma_start3A_96, %dma_start3A_97] : memref<206336x64xf32, #tpu.memory_space<hbm>> -> memref<206336x64xf32, #tpu.memory_space<hbm>>
    tpu.enqueue_indirect_dma source(%dma_start3A_98 : memref<206336x64xf32, #tpu.memory_space<hbm>>) target(%dma_start3A_92 : memref<128x64xf32, #tpu.memory_space<vmem>>) offsets(%dma_start3A_95 : memref<128xi32, #tpu.memory_space<vmem>>) semaphore(%arg8 : memref<!tpu.dma_semaphore, #tpu.memory_space<semaphore_mem>>)
    %dma_start3A_99 = arith.constant 7 : i32
    %dma_start3A_100 = arith.constant 896 : i32
    %dma_start3A_101 = arith.constant 0 : i32
    %dma_start3A_102 = tpu.memref_slice %arg7[%dma_start3A_100, %dma_start3A_101] : memref<1024x64xf32, #tpu.memory_space<vmem>> -> memref<128x64xf32, #tpu.memory_space<vmem>>
    %dma_start3A_103 = arith.constant 0 : i32
    %dma_start3A_104 = tpu.memref_slice %arg6[%dma_start3A_99, %dma_start3A_103] : memref<8x128xi32, #tpu.memory_space<vmem>> -> memref<1x128xi32, #tpu.memory_space<vmem>>
    %dma_start3A_105 = tpu.memref_squeeze %dma_start3A_104 : memref<1x128xi32, #tpu.memory_space<vmem>> -> memref<128xi32, #tpu.memory_space<vmem>>
    %dma_start3A_106 = arith.constant 0 : i32
    %dma_start3A_107 = arith.constant 0 : i32
    %dma_start3A_108 = tpu.memref_slice %arg3[%dma_start3A_106, %dma_start3A_107] : memref<206336x64xf32, #tpu.memory_space<hbm>> -> memref<206336x64xf32, #tpu.memory_space<hbm>>
    tpu.enqueue_indirect_dma source(%dma_start3A_108 : memref<206336x64xf32, #tpu.memory_space<hbm>>) target(%dma_start3A_102 : memref<128x64xf32, #tpu.memory_space<vmem>>) offsets(%dma_start3A_105 : memref<128xi32, #tpu.memory_space<vmem>>) semaphore(%arg8 : memref<!tpu.dma_semaphore, #tpu.memory_space<semaphore_mem>>)
    %dma_wait3A = arith.constant 0 : i32
    %dma_wait3A_109 = arith.constant 0 : i32
    %dma_wait3A_110 = arith.constant 0 : i32
    %dma_wait3A_111 = tpu.memref_slice %arg7[%dma_wait3A_109, %dma_wait3A_110] : memref<1024x64xf32, #tpu.memory_space<vmem>> -> memref<128x64xf32, #tpu.memory_space<vmem>>
    %dma_wait3A_112 = arith.constant 0 : i32
    %dma_wait3A_113 = tpu.memref_slice %arg6[%dma_wait3A, %dma_wait3A_112] : memref<8x128xi32, #tpu.memory_space<vmem>> -> memref<1x128xi32, #tpu.memory_space<vmem>>
    %dma_wait3A_114 = tpu.memref_squeeze %dma_wait3A_113 : memref<1x128xi32, #tpu.memory_space<vmem>> -> memref<128xi32, #tpu.memory_space<vmem>>
    %dma_wait3A_115 = arith.constant 0 : i32
    %dma_wait3A_116 = arith.constant 0 : i32
    %dma_wait3A_117 = tpu.memref_slice %arg3[%dma_wait3A_115, %dma_wait3A_116] : memref<206336x64xf32, #tpu.memory_space<hbm>> -> memref<206336x64xf32, #tpu.memory_space<hbm>>
    tpu.wait_indirect_dma semaphore(%arg8 : memref<!tpu.dma_semaphore, #tpu.memory_space<semaphore_mem>>) src(%dma_wait3A_117 : memref<206336x64xf32, #tpu.memory_space<hbm>>) dst(%dma_wait3A_111 : memref<128x64xf32, #tpu.memory_space<vmem>>)
    %dma_wait3A_118 = arith.constant 1 : i32
    %dma_wait3A_119 = arith.constant 128 : i32
    %dma_wait3A_120 = arith.constant 0 : i32
    %dma_wait3A_121 = tpu.memref_slice %arg7[%dma_wait3A_119, %dma_wait3A_120] : memref<1024x64xf32, #tpu.memory_space<vmem>> -> memref<128x64xf32, #tpu.memory_space<vmem>>
    %dma_wait3A_122 = arith.constant 0 : i32
    %dma_wait3A_123 = tpu.memref_slice %arg6[%dma_wait3A_118, %dma_wait3A_122] : memref<8x128xi32, #tpu.memory_space<vmem>> -> memref<1x128xi32, #tpu.memory_space<vmem>>
    %dma_wait3A_124 = tpu.memref_squeeze %dma_wait3A_123 : memref<1x128xi32, #tpu.memory_space<vmem>> -> memref<128xi32, #tpu.memory_space<vmem>>
    %dma_wait3A_125 = arith.constant 0 : i32
    %dma_wait3A_126 = arith.constant 0 : i32
    %dma_wait3A_127 = tpu.memref_slice %arg3[%dma_wait3A_125, %dma_wait3A_126] : memref<206336x64xf32, #tpu.memory_space<hbm>> -> memref<206336x64xf32, #tpu.memory_space<hbm>>
    tpu.wait_indirect_dma semaphore(%arg8 : memref<!tpu.dma_semaphore, #tpu.memory_space<semaphore_mem>>) src(%dma_wait3A_127 : memref<206336x64xf32, #tpu.memory_space<hbm>>) dst(%dma_wait3A_121 : memref<128x64xf32, #tpu.memory_space<vmem>>)
    %dma_wait3A_128 = arith.constant 2 : i32
    %dma_wait3A_129 = arith.constant 256 : i32
    %dma_wait3A_130 = arith.constant 0 : i32
    %dma_wait3A_131 = tpu.memref_slice %arg7[%dma_wait3A_129, %dma_wait3A_130] : memref<1024x64xf32, #tpu.memory_space<vmem>> -> memref<128x64xf32, #tpu.memory_space<vmem>>
    %dma_wait3A_132 = arith.constant 0 : i32
    %dma_wait3A_133 = tpu.memref_slice %arg6[%dma_wait3A_128, %dma_wait3A_132] : memref<8x128xi32, #tpu.memory_space<vmem>> -> memref<1x128xi32, #tpu.memory_space<vmem>>
    %dma_wait3A_134 = tpu.memref_squeeze %dma_wait3A_133 : memref<1x128xi32, #tpu.memory_space<vmem>> -> memref<128xi32, #tpu.memory_space<vmem>>
    %dma_wait3A_135 = arith.constant 0 : i32
    %dma_wait3A_136 = arith.constant 0 : i32
    %dma_wait3A_137 = tpu.memref_slice %arg3[%dma_wait3A_135, %dma_wait3A_136] : memref<206336x64xf32, #tpu.memory_space<hbm>> -> memref<206336x64xf32, #tpu.memory_space<hbm>>
    tpu.wait_indirect_dma semaphore(%arg8 : memref<!tpu.dma_semaphore, #tpu.memory_space<semaphore_mem>>) src(%dma_wait3A_137 : memref<206336x64xf32, #tpu.memory_space<hbm>>) dst(%dma_wait3A_131 : memref<128x64xf32, #tpu.memory_space<vmem>>)
    %dma_wait3A_138 = arith.constant 3 : i32
    %dma_wait3A_139 = arith.constant 384 : i32
    %dma_wait3A_140 = arith.constant 0 : i32
    %dma_wait3A_141 = tpu.memref_slice %arg7[%dma_wait3A_139, %dma_wait3A_140] : memref<1024x64xf32, #tpu.memory_space<vmem>> -> memref<128x64xf32, #tpu.memory_space<vmem>>
    %dma_wait3A_142 = arith.constant 0 : i32
    %dma_wait3A_143 = tpu.memref_slice %arg6[%dma_wait3A_138, %dma_wait3A_142] : memref<8x128xi32, #tpu.memory_space<vmem>> -> memref<1x128xi32, #tpu.memory_space<vmem>>
    %dma_wait3A_144 = tpu.memref_squeeze %dma_wait3A_143 : memref<1x128xi32, #tpu.memory_space<vmem>> -> memref<128xi32, #tpu.memory_space<vmem>>
    %dma_wait3A_145 = arith.constant 0 : i32
    %dma_wait3A_146 = arith.constant 0 : i32
    %dma_wait3A_147 = tpu.memref_slice %arg3[%dma_wait3A_145, %dma_wait3A_146] : memref<206336x64xf32, #tpu.memory_space<hbm>> -> memref<206336x64xf32, #tpu.memory_space<hbm>>
    tpu.wait_indirect_dma semaphore(%arg8 : memref<!tpu.dma_semaphore, #tpu.memory_space<semaphore_mem>>) src(%dma_wait3A_147 : memref<206336x64xf32, #tpu.memory_space<hbm>>) dst(%dma_wait3A_141 : memref<128x64xf32, #tpu.memory_space<vmem>>)
    %dma_wait3A_148 = arith.constant 4 : i32
    %dma_wait3A_149 = arith.constant 512 : i32
    %dma_wait3A_150 = arith.constant 0 : i32
    %dma_wait3A_151 = tpu.memref_slice %arg7[%dma_wait3A_149, %dma_wait3A_150] : memref<1024x64xf32, #tpu.memory_space<vmem>> -> memref<128x64xf32, #tpu.memory_space<vmem>>
    %dma_wait3A_152 = arith.constant 0 : i32
    %dma_wait3A_153 = tpu.memref_slice %arg6[%dma_wait3A_148, %dma_wait3A_152] : memref<8x128xi32, #tpu.memory_space<vmem>> -> memref<1x128xi32, #tpu.memory_space<vmem>>
    %dma_wait3A_154 = tpu.memref_squeeze %dma_wait3A_153 : memref<1x128xi32, #tpu.memory_space<vmem>> -> memref<128xi32, #tpu.memory_space<vmem>>
    %dma_wait3A_155 = arith.constant 0 : i32
    %dma_wait3A_156 = arith.constant 0 : i32
    %dma_wait3A_157 = tpu.memref_slice %arg3[%dma_wait3A_155, %dma_wait3A_156] : memref<206336x64xf32, #tpu.memory_space<hbm>> -> memref<206336x64xf32, #tpu.memory_space<hbm>>
    tpu.wait_indirect_dma semaphore(%arg8 : memref<!tpu.dma_semaphore, #tpu.memory_space<semaphore_mem>>) src(%dma_wait3A_157 : memref<206336x64xf32, #tpu.memory_space<hbm>>) dst(%dma_wait3A_151 : memref<128x64xf32, #tpu.memory_space<vmem>>)
    %dma_wait3A_158 = arith.constant 5 : i32
    %dma_wait3A_159 = arith.constant 640 : i32
    %dma_wait3A_160 = arith.constant 0 : i32
    %dma_wait3A_161 = tpu.memref_slice %arg7[%dma_wait3A_159, %dma_wait3A_160] : memref<1024x64xf32, #tpu.memory_space<vmem>> -> memref<128x64xf32, #tpu.memory_space<vmem>>
    %dma_wait3A_162 = arith.constant 0 : i32
    %dma_wait3A_163 = tpu.memref_slice %arg6[%dma_wait3A_158, %dma_wait3A_162] : memref<8x128xi32, #tpu.memory_space<vmem>> -> memref<1x128xi32, #tpu.memory_space<vmem>>
    %dma_wait3A_164 = tpu.memref_squeeze %dma_wait3A_163 : memref<1x128xi32, #tpu.memory_space<vmem>> -> memref<128xi32, #tpu.memory_space<vmem>>
    %dma_wait3A_165 = arith.constant 0 : i32
    %dma_wait3A_166 = arith.constant 0 : i32
    %dma_wait3A_167 = tpu.memref_slice %arg3[%dma_wait3A_165, %dma_wait3A_166] : memref<206336x64xf32, #tpu.memory_space<hbm>> -> memref<206336x64xf32, #tpu.memory_space<hbm>>
    tpu.wait_indirect_dma semaphore(%arg8 : memref<!tpu.dma_semaphore, #tpu.memory_space<semaphore_mem>>) src(%dma_wait3A_167 : memref<206336x64xf32, #tpu.memory_space<hbm>>) dst(%dma_wait3A_161 : memref<128x64xf32, #tpu.memory_space<vmem>>)
    %dma_wait3A_168 = arith.constant 6 : i32
    %dma_wait3A_169 = arith.constant 768 : i32
    %dma_wait3A_170 = arith.constant 0 : i32
    %dma_wait3A_171 = tpu.memref_slice %arg7[%dma_wait3A_169, %dma_wait3A_170] : memref<1024x64xf32, #tpu.memory_space<vmem>> -> memref<128x64xf32, #tpu.memory_space<vmem>>
    %dma_wait3A_172 = arith.constant 0 : i32
    %dma_wait3A_173 = tpu.memref_slice %arg6[%dma_wait3A_168, %dma_wait3A_172] : memref<8x128xi32, #tpu.memory_space<vmem>> -> memref<1x128xi32, #tpu.memory_space<vmem>>
    %dma_wait3A_174 = tpu.memref_squeeze %dma_wait3A_173 : memref<1x128xi32, #tpu.memory_space<vmem>> -> memref<128xi32, #tpu.memory_space<vmem>>
    %dma_wait3A_175 = arith.constant 0 : i32
    %dma_wait3A_176 = arith.constant 0 : i32
    %dma_wait3A_177 = tpu.memref_slice %arg3[%dma_wait3A_175, %dma_wait3A_176] : memref<206336x64xf32, #tpu.memory_space<hbm>> -> memref<206336x64xf32, #tpu.memory_space<hbm>>
    tpu.wait_indirect_dma semaphore(%arg8 : memref<!tpu.dma_semaphore, #tpu.memory_space<semaphore_mem>>) src(%dma_wait3A_177 : memref<206336x64xf32, #tpu.memory_space<hbm>>) dst(%dma_wait3A_171 : memref<128x64xf32, #tpu.memory_space<vmem>>)
    %dma_wait3A_178 = arith.constant 7 : i32
    %dma_wait3A_179 = arith.constant 896 : i32
    %dma_wait3A_180 = arith.constant 0 : i32
    %dma_wait3A_181 = tpu.memref_slice %arg7[%dma_wait3A_179, %dma_wait3A_180] : memref<1024x64xf32, #tpu.memory_space<vmem>> -> memref<128x64xf32, #tpu.memory_space<vmem>>
    %dma_wait3A_182 = arith.constant 0 : i32
    %dma_wait3A_183 = tpu.memref_slice %arg6[%dma_wait3A_178, %dma_wait3A_182] : memref<8x128xi32, #tpu.memory_space<vmem>> -> memref<1x128xi32, #tpu.memory_space<vmem>>
    %dma_wait3A_184 = tpu.memref_squeeze %dma_wait3A_183 : memref<1x128xi32, #tpu.memory_space<vmem>> -> memref<128xi32, #tpu.memory_space<vmem>>
    %dma_wait3A_185 = arith.constant 0 : i32
    %dma_wait3A_186 = arith.constant 0 : i32
    %dma_wait3A_187 = tpu.memref_slice %arg3[%dma_wait3A_185, %dma_wait3A_186] : memref<206336x64xf32, #tpu.memory_space<hbm>> -> memref<206336x64xf32, #tpu.memory_space<hbm>>
    tpu.wait_indirect_dma semaphore(%arg8 : memref<!tpu.dma_semaphore, #tpu.memory_space<semaphore_mem>>) src(%dma_wait3A_187 : memref<206336x64xf32, #tpu.memory_space<hbm>>) dst(%dma_wait3A_181 : memref<128x64xf32, #tpu.memory_space<vmem>>)
    "tpu.region"() ({
      %run_scoped3A = tpu.sem_alloc : memref<!tpu.dma_semaphore, #tpu.memory_space<semaphore_mem>>
      %dma_start3A_188 = arith.constant 0 : i32
      %dma_start3A_189 = arith.constant 0 : i32
      %dma_start3A_190 = tpu.memref_slice %arg7[%dma_start3A_188, %dma_start3A_189] : memref<1024x64xf32, #tpu.memory_space<vmem>> -> memref<512x64xf32, #tpu.memory_space<vmem>>
      %dma_start3A_191 = arith.constant 0 : i32
      %dma_start3A_192 = tpu.memref_slice %arg4[%mul3A_2, %dma_start3A_191] : memref<16384x128xf32, #tpu.memory_space<hbm>> -> memref<512x64xf32, #tpu.memory_space<hbm>>
      %dma_start3A_193 = arith.constant 0 : i32
      %dma_start3A_194 = tpu.memref_slice %arg4[%mul3A_2, %dma_start3A_193] : memref<16384x128xf32, #tpu.memory_space<hbm>> -> memref<512x64xf32, #tpu.memory_space<hbm>>
      %dma_start3A_195 = arith.constant 0 : i32
      %dma_start3A_196 = arith.constant 0 : i32
      %dma_start3A_197 = tpu.memref_slice %arg7[%dma_start3A_195, %dma_start3A_196] : memref<1024x64xf32, #tpu.memory_space<vmem>> -> memref<512x64xf32, #tpu.memory_space<vmem>>
      tpu.enqueue_dma source(%dma_start3A_197 : memref<512x64xf32, #tpu.memory_space<vmem>>) target(%dma_start3A_194 : memref<512x64xf32, #tpu.memory_space<hbm>>) target_semaphore(%run_scoped3A : memref<!tpu.dma_semaphore, #tpu.memory_space<semaphore_mem>>)
      %dma_wait3A_198 = arith.constant 0 : i32
      %dma_wait3A_199 = arith.constant 0 : i32
      %dma_wait3A_200 = tpu.memref_slice %arg7[%dma_wait3A_198, %dma_wait3A_199] : memref<1024x64xf32, #tpu.memory_space<vmem>> -> memref<512x64xf32, #tpu.memory_space<vmem>>
      %dma_wait3A_201 = arith.constant 0 : i32
      %dma_wait3A_202 = tpu.memref_slice %arg4[%mul3A_2, %dma_wait3A_201] : memref<16384x128xf32, #tpu.memory_space<hbm>> -> memref<512x64xf32, #tpu.memory_space<hbm>>
      %dma_wait3A_203 = arith.constant 0 : i32
      %dma_wait3A_204 = tpu.memref_slice %arg4[%mul3A_2, %dma_wait3A_203] : memref<16384x128xf32, #tpu.memory_space<hbm>> -> memref<512x64xf32, #tpu.memory_space<hbm>>
      %dma_wait3A_205 = arith.constant 0 : i32
      %dma_wait3A_206 = arith.constant 0 : i32
      %dma_wait3A_207 = tpu.memref_slice %arg7[%dma_wait3A_205, %dma_wait3A_206] : memref<1024x64xf32, #tpu.memory_space<vmem>> -> memref<512x64xf32, #tpu.memory_space<vmem>>
      tpu.wait_dma2 semaphore(%run_scoped3A : memref<!tpu.dma_semaphore, #tpu.memory_space<semaphore_mem>>) src(%dma_wait3A_207 : memref<512x64xf32, #tpu.memory_space<vmem>>) dst(%dma_wait3A_204 : memref<512x64xf32, #tpu.memory_space<hbm>>)
      tpu.yield
    }) : () -> ()
    "tpu.region"() ({
      %run_scoped3A = tpu.sem_alloc : memref<!tpu.dma_semaphore, #tpu.memory_space<semaphore_mem>>
      %dma_start3A_188 = arith.constant 512 : i32
      %dma_start3A_189 = arith.constant 0 : i32
      %dma_start3A_190 = tpu.memref_slice %arg7[%dma_start3A_188, %dma_start3A_189] : memref<1024x64xf32, #tpu.memory_space<vmem>> -> memref<512x64xf32, #tpu.memory_space<vmem>>
      %dma_start3A_191 = arith.constant 64 : i32
      %dma_start3A_192 = tpu.memref_slice %arg4[%mul3A_2, %dma_start3A_191] : memref<16384x128xf32, #tpu.memory_space<hbm>> -> memref<512x64xf32, #tpu.memory_space<hbm>>
      %dma_start3A_193 = arith.constant 64 : i32
      %dma_start3A_194 = tpu.memref_slice %arg4[%mul3A_2, %dma_start3A_193] : memref<16384x128xf32, #tpu.memory_space<hbm>> -> memref<512x64xf32, #tpu.memory_space<hbm>>
      %dma_start3A_195 = arith.constant 512 : i32
      %dma_start3A_196 = arith.constant 0 : i32
      %dma_start3A_197 = tpu.memref_slice %arg7[%dma_start3A_195, %dma_start3A_196] : memref<1024x64xf32, #tpu.memory_space<vmem>> -> memref<512x64xf32, #tpu.memory_space<vmem>>
      tpu.enqueue_dma source(%dma_start3A_197 : memref<512x64xf32, #tpu.memory_space<vmem>>) target(%dma_start3A_194 : memref<512x64xf32, #tpu.memory_space<hbm>>) target_semaphore(%run_scoped3A : memref<!tpu.dma_semaphore, #tpu.memory_space<semaphore_mem>>)
      %dma_wait3A_198 = arith.constant 512 : i32
      %dma_wait3A_199 = arith.constant 0 : i32
      %dma_wait3A_200 = tpu.memref_slice %arg7[%dma_wait3A_198, %dma_wait3A_199] : memref<1024x64xf32, #tpu.memory_space<vmem>> -> memref<512x64xf32, #tpu.memory_space<vmem>>
      %dma_wait3A_201 = arith.constant 64 : i32
      %dma_wait3A_202 = tpu.memref_slice %arg4[%mul3A_2, %dma_wait3A_201] : memref<16384x128xf32, #tpu.memory_space<hbm>> -> memref<512x64xf32, #tpu.memory_space<hbm>>
      %dma_wait3A_203 = arith.constant 64 : i32
      %dma_wait3A_204 = tpu.memref_slice %arg4[%mul3A_2, %dma_wait3A_203] : memref<16384x128xf32, #tpu.memory_space<hbm>> -> memref<512x64xf32, #tpu.memory_space<hbm>>
      %dma_wait3A_205 = arith.constant 512 : i32
      %dma_wait3A_206 = arith.constant 0 : i32
      %dma_wait3A_207 = tpu.memref_slice %arg7[%dma_wait3A_205, %dma_wait3A_206] : memref<1024x64xf32, #tpu.memory_space<vmem>> -> memref<512x64xf32, #tpu.memory_space<vmem>>
      tpu.wait_dma2 semaphore(%run_scoped3A : memref<!tpu.dma_semaphore, #tpu.memory_space<semaphore_mem>>) src(%dma_wait3A_207 : memref<512x64xf32, #tpu.memory_space<vmem>>) dst(%dma_wait3A_204 : memref<512x64xf32, #tpu.memory_space<hbm>>)
      tpu.yield
    }) : () -> ()
    return
  }
}

module attributes {stable_mosaic.version = 14 : i64} {
  func.func @_tc_relayout_body(%arg0: i32, %arg1: memref<64x3328xf32, #tpu.memory_space<vmem>>, %arg2: memref<3328x128xf32, #tpu.memory_space<vmem>>) attributes {dimension_semantics = [#tpu.dimension_semantics<parallel>], iteration_bounds = array<i64: 31>, scalar_prefetch = 0 : i64, scratch_operands = 0 : i64, tpu.core_type = #tpu.core_type<tc>, window_params = [{transform_indices = @transform_0, window_bounds = array<i64: 64, 3328>}, {transform_indices = @transform_1, window_bounds = array<i64: 3328, 128>}]} {
    %get3A = arith.constant 0 : index
    %get3A_0 = arith.constant 0 : index
    %get3A_1 = vector.load %arg1[%get3A, %get3A_0] : memref<64x3328xf32, #tpu.memory_space<vmem>>, vector<64x3328xf32>
    %transpose3A = tpu.transpose %get3A_1, [1, 0] : vector<64x3328xf32> -> vector<3328x64xf32>
    %concatenate3A = tpu.concatenate %transpose3A, %transpose3A in 1 : vector<3328x64xf32>, vector<3328x64xf32> -> vector<3328x128xf32>
    %swap3A = arith.constant 0 : index
    %swap3A_2 = arith.constant 0 : index
    %swap3A_3 = vector.load %arg2[%swap3A, %swap3A_2] : memref<3328x128xf32, #tpu.memory_space<vmem>>, vector<3328x128xf32>
    tpu.vector_store %arg2[%swap3A, %swap3A_2], %concatenate3A {strides = array<i32>} : memref<3328x128xf32, #tpu.memory_space<vmem>>, vector<3328x128xf32>,
    return
  }
  func.func @transform_0(%arg0: i32) -> (i32, i32) {
    %c0_i32 = arith.constant 0 : i32
    %c0_i32_0 = arith.constant 0 : i32
    return %c0_i32, %arg0 : i32, i32
  }
  func.func @transform_1(%arg0: i32) -> (i32, i32) {
    %c0_i32 = arith.constant 0 : i32
    %c0_i32_0 = arith.constant 0 : i32
    return %arg0, %c0_i32 : i32, i32
  }
}

</mosaic_0001>

<sc_bundles>
// kernel: kernel.4.cloned.1.call-start
scs
__scs_entry_jumppad:
0x0: {  	(pc) =	sbr.rel $0x88, $3  }
0x1: {  	(tag) =	ssettag $0x0;
	lr =	simm.s32 $0x1  }
0x2: {  	[smem:$0x3F9F] =	sst lr;
	_ =	strace $0xD0000000  }
0x3: {  	_ = 	snop  }
0x4: {  	_ = 	snop  }
0x5: {  	_ = 	snop  }
0x6: {  	_ = 	snop  }
0x7: {  	_ = 	snop  }
__scs_overlays_trampoline_lowered:
0x8: {  	[smem:$0x3FAE] =	sst s0  }
0x9: {  	[smem:$0x3FAF] =	sst s1  }
0xa: {  	[smem:$0x3FB0] =	sst s2  }
0xb: {  	[smem:$0x3FB1] =	sst s3  }
0xc: {  	[smem:$0x3FB2] =	sst s4  }
0xd: {  	[smem:$0x3FB3] =	sst s5  }
0xe: {  	[smem:$0x3FB4] =	sst s6  }
0xf: {  	[smem:$0x3FB5] =	sst s7  }
0x10: {  	[smem:$0x3FB6] =	sst s8  }
0x11: {  	[smem:$0x3FB7] =	sst s9;
	s0 =	simm.s32 @!p0 $0x0  }
0x12: {  	s1 =	sld [smem:$0x3F9D];
	s0 =	simm.s32 @p0 $0x1  }
0x13: {  	[smem:$0x3FB8] =	sst s0;
	s0 =	simm.s32 @!p1 $0x0  }
0x14: {  	s2 =	sld [smem:$0x3F9C];
	s0 =	simm.s32 @p1 $0x1  }
0x15: {  	[smem:$0x3FB9] =	sst s0;
	s0 =	simm.s32 @!p2 $0x0  }
0x16: {  	s3 =	sld [smem:$0x3FDB];
	s0 =	simm.s32 @p2 $0x1  }
0x17: {  	s4 =	simm.s32 $0x1BF5;
	[smem:$0x3FBB] =	sst s0  }
0x18: {  	s0 =	sld [smem:$0x3F9E];
	_ =	swait.ge [sflag:s4], $0x0  }
0x19: {  	s7 =	sld [smem:$0x3F9F]  }
0x1a: {  	s8 =	sadd.s32 $0xFFFFE003, lr  }
0x1b: {  	s9 =	sadd.s32 $0xFFFFFEF7, lr;
	s5 =	simm.s32 $0xFFFFFFFF;
	p2 =	slt.u32 s8, $0xFFFFF086  }
0x1c: {  	p1 =	slt.u32 s9, $0xF7A;
	s5 =	simm.s32 @!p2 $0x0  }
0x1d: {  	s5 =	simm.s32 @p1 $0x1;
	p0 =	seq.s32 s7, s2  }
0x1e: {  	s7 =	smul.u32 @!p0 $0xF7A, s2;
	p2 =	seq.s32 @!p0 s5, $0x0  }
0x1f: {  	s9 =	smul.u32 $0xF7A, s1;
	s8 =	simm.s32 @!p0 $0x1BF5;
	p2 =	por !p2, p0  }
0x20: {  	[sflag:s8] =	ssyncset.s32 @!p0 $0xFFFFF086;
	s6 =	sadd.s32 @!p0 s3, s7;
	s7 =	simm.s32 @!p0 $0x108  }
0x21: {  	s3 =	sadd.s32 s3, s9;
	s6 =	sadd.s32 @!p0 $0x88, s6;
	s7 =	simm.s32 @p2 $0x1082  }
0x22: {  	[simem:s7], [sflag:s8] =	dma.local @!p0 [hbm:s6], $0xF7A  }
0x23: {  	s9 =	sor.u32 $0xD0000000, s2;
	s6 =	simm.s32 $0x108;
	_ =	swait.ge @!p0 [sflag:s8], $0x0  }
0x24: {  	s3 =	sadd.s32 $0x88, s3;
	s6 =	simm.s32 @!p1 $0x1082;
	[sflag:s4] =	ssyncset.s32 $0xFFFFF086  }
0x25: {  	[simem:s6], [sflag:s4] =	dma.local [hbm:s3], $0xF7A  }
0x26: {  	[smem:$0x3F9F] =	sst s1;
	(tag) =	ssettag s2;
	_ =	strace s9  }
0x27: {  	s1 =	sld [smem:$0x3FAF]  }
0x28: {  	s2 =	sld [smem:$0x3FB0]  }
0x29: {  	s4 =	sld [smem:$0x3FB2]  }
0x2a: {  	p0 =	seq.s32 s5, $0x0;
	s5 =	sld [smem:$0x3FB3]  }
0x2b: {  	s6 =	sld [smem:$0x3FB4]  }
0x2c: {  	s7 =	sld [smem:$0x3FB5]  }
0x2d: {  	s3 =	simm.s32 $0x108;
	s8 =	sld [smem:$0x3FB6]  }
0x2e: {  	s3 =	simm.s32 @!p0 $0x1082;
	s9 =	sld [smem:$0x3FB7]  }
0x2f: {  	lr =	sadd.s32 s0, s3;
	s0 =	sld [smem:$0x3FAE]  }
0x30: {  	s3 =	sld [smem:$0x3FB1]  }
0x31: {  	[smem:$0x3FBA] =	sst s10  }
0x32: {  	s10 =	sld [smem:$0x3FB8];
	_ =	sdelay $0x3  }
0x33: {  	p0 =	seq.s32 s10, $0x1;
	s10 =	sld [smem:$0x3FBA];
	_ =	sdelay $0x3  }
0x34: {  	[smem:$0x3FBA] =	sst s10  }
0x35: {  	s10 =	sld [smem:$0x3FB9];
	_ =	sdelay $0x3  }
0x36: {  	p1 =	seq.s32 s10, $0x1;
	s10 =	sld [smem:$0x3FBA];
	_ =	sdelay $0x3  }
0x37: {  	[smem:$0x3FBA] =	sst s10  }
0x38: {  	s10 =	sld [smem:$0x3FBB]  }
0x39: {  	_ = 	snop;
	(pc) =	sbr.ind lr, $3  }
0x3a: {  	_ = 	snop  }
0x3b: {  	_ = 	snop  }
0x3c: {  	p2 =	seq.s32 s10, $0x1;
	s10 =	sld [smem:$0x3FBA]  }
0x3d: {  	_ =	shalt  }
0x3e: {  	_ =	shalt  }
0x3f: {  	_ =	shalt  }
0x40: {  	_ =	shalt  }
0x41: {  	_ =	shalt  }
0x42: {  	_ =	shalt  }
0x43: {  	_ =	shalt  }
0x44: {  	_ =	shalt  }
0x45: {  	_ =	shalt  }
0x46: {  	_ =	shalt  }
0x47: {  	_ =	shalt  }
0x48: {  	_ =	shalt  }
0x49: {  	_ =	shalt  }
0x4a: {  	_ =	shalt  }
0x4b: {  	_ =	shalt  }
0x4c: {  	_ =	shalt  }
0x4d: {  	_ =	shalt  }
0x4e: {  	_ =	shalt  }
0x4f: {  	_ =	shalt  }
0x50: {  	_ =	shalt  }
0x51: {  	_ =	shalt  }
0x52: {  	_ =	shalt  }
0x53: {  	_ =	shalt  }
0x54: {  	_ =	shalt  }
0x55: {  	_ =	shalt  }
0x56: {  	_ =	shalt  }
0x57: {  	_ =	shalt  }
0x58: {  	_ =	shalt  }
0x59: {  	_ =	shalt  }
0x5a: {  	_ =	shalt  }
0x5b: {  	_ =	shalt  }
0x5c: {  	_ =	shalt  }
0x5d: {  	_ =	shalt  }
0x5e: {  	_ =	shalt  }
0x5f: {  	_ =	shalt  }
0x60: {  	_ =	shalt  }
0x61: {  	_ =	shalt  }
0x62: {  	_ =	shalt  }
0x63: {  	_ =	shalt  }
0x64: {  	_ =	shalt  }
0x65: {  	_ =	shalt  }
0x66: {  	_ =	shalt  }
0x67: {  	_ =	shalt  }
0x68: {  	_ =	shalt  }
0x69: {  	_ =	shalt  }
0x6a: {  	_ =	shalt  }
0x6b: {  	_ =	shalt  }
0x6c: {  	_ =	shalt  }
0x6d: {  	_ =	shalt  }
0x6e: {  	_ =	shalt  }
0x6f: {  	_ =	shalt  }
0x70: {  	_ =	shalt  }
0x71: {  	_ =	shalt  }
0x72: {  	_ =	shalt  }
0x73: {  	_ =	shalt  }
0x74: {  	_ =	shalt  }
0x75: {  	_ =	shalt  }
0x76: {  	_ =	shalt  }
0x77: {  	_ =	shalt  }
0x78: {  	_ =	shalt  }
0x79: {  	_ =	shalt  }
0x7a: {  	_ =	shalt  }
0x7b: {  	_ =	shalt  }
0x7c: {  	_ =	shalt  }
0x7d: {  	_ =	shalt  }
0x7e: {  	_ =	shalt  }
0x7f: {  	_ =	shalt  }
0x80: {  	_ =	shalt  }
0x81: {  	_ =	shalt  }
0x82: {  	_ =	shalt  }
0x83: {  	_ =	shalt  }
0x84: {  	_ =	shalt  }
0x85: {  	_ =	shalt  }
0x86: {  	_ =	shalt  }
0x87: {  	_ =	shalt  }
.Lfunc_end0:
.L_simem_size_0:
called_computation_lowered:
.L_overlay_start_0:
0x88: {  	s2 =	sld [smem:$0x3FD9]  }
0x89: {  	s3 =	sld [smem:$0x3FFE];
	_ =	sdelay $0x1  }
0x8a: {  	s1 =	srdreg.scid  }
0x8b: {  	s0 =	sand.u32 $0x1, s1  }
0x8c: {  	s17 =	sshll.u32 s0, $0xA;
	s2 =	sadd.s32 s3, s2  }
0x8d: {  	s2 =	sadd.s32 s2, s17  }
0x8e: {  	[smem:$0x3FC6] =	sst s2  }
0x8f: {  	_ = 	snop  }
0x90: {  	s2 =	sld [smem:$0x3FD0];
	(tm) =	ssettm $0x1  }
0x91: {  	s18 =	sld [smem:$0x3FFB];
	_ =	sdelay $0x3  }
0x92: {  	_ =	strace s18  }
0x93: {  	s3 =	sld [smem:$0x3FFC];
	_ =	sdelay $0x3  }
0x94: {  	_ =	strace s3  }
0x95: {  	s3 =	sld [smem:$0x3FFD];
	_ =	sdelay $0x3  }
0x96: {  	_ =	strace s3  }
0x97: {  	_ =	strace $0x8FFFFFFF  }
0x98: {  	s19 =	sld [smem:$0x3FDB];
	_ =	sdelay $0x1  }
0x99: {  	s4 =	simm.s32 $_scs_section_size  }
0x9a: {  	s5 =	simm.s32 $_size__tile_overlayer_lowered;
	s6 =	simm.s32 $_tile_overlayer_lowered  }
0x9b: {  	s22 =	simm.s32 $0x1BFF;
	s21 =	sshll.u32 s6, $0x1;
	s3 =	sadd.s32 s4, s19  }
0x9c: {  	s7 =	simm.s32 $0x0;
	s20 =	sshll.u32 s5, $0x1;
	s5 =	sadd.s32 s21, s3  }
0x9d: {  	[timem:s7], [sflag:s22] =	dma.local [hbm:s5], s20  }
0x9e: {  	_ =	swait.ge [sflag:s22], s20  }
0x9f: {  	s4 =	ssub.s32 $0x0, s20;
	[sflag:s22] =	ssyncset.done $0x0  }
0xa0: {  	[sflag:s22] =	ssyncadd.s32 s4;
	_ =	sdelay $0x1  }
0xa1: {  	s23 =	simm.s32 $0x1B8B  }
0xa2: {  	_ =	swait.ge [sflag:s23], $0x1  }
0xa3: {  	[sflag:s23] =	ssyncset.done $0x0  }
0xa4: {  	s25 =	simm.s32 $0x1B8E;
	s24 =	sld [smem:$0x3FFE];
	[sflag:s23] =	ssyncadd.s32 $0xFFFFFFFF  }
0xa5: {  	s26 =	simm.s32 $execute0_lowered;
	[smem:$0x3FD2] =	sst s25  }
0xa6: {  	s5 =	sshll.u32 s26, $0x1;
	_ =	strace $0x80000046;
	[dreg:$0x1] =	wrdreg $0xFFFFFFFF  }
0xa7: {  	s28 =	simm.s32 $_size_execute0_lowered;
	s3 =	sadd.s32 s3, s5;
	[dreg:$0x0] =	wrdreg $0x0  }
0xa8: {  	s5 =	sshll.u32 s28, $0x1;
	[dreg:$0x2] =	wrdreg s3  }
0xa9: {  	[dreg:$0x3] =	wrdreg s5  }
0xaa: {  	[dreg:$0x4] =	wrdreg $0xC0  }
0xab: {  	_ =	task [dreg:s7], $0x5FFFF  }
0xac: {  	[dreg:$0x1] =	wrdreg $0xFFFFFFFF  }
0xad: {  	[dreg:$0x0] =	wrdreg $0x60  }
0xae: {  	[dreg:$0x2] =	wrdreg s24  }
0xaf: {  	[dreg:$0x3] =	wrdreg s2  }
0xb0: {  	[dreg:$0x4] =	wrdreg $0x9  }
0xb1: {  	_ =	task.clear_ibuf [dreg:s7], $0x5FFFF;
	_ =	strace $0x90000046  }
0xb2: {  	s29 =	simm.s32 $0x9;
	_ =	strace $0x80000048  }
0xb3: {  	_ =	swait.ge [sflag:s29], $0x1  }
0xb4: {  	[sflag:s29] =	ssyncadd.s32 $0xFFFFFFFF  }
0xb5: {  	_ =	strace $0x90000048  }
0xb6: {  	_ =	sfence  }
0xb7: {  	s30 =	sld [smem:$0x0];
	_ =	sdelay $0x2  }
0xb8: {  	s31 =	sshll.u32 s1, $0xD;
	s1 =	sshrl.u32 s1, $0x2  }
0xb9: {  	s3 =	sand.u32 $0x4000, s31;
	s1 =	sadd.s32 s1, s30  }
0xba: {  	s0 =	sor.u32 s3, s0;
	s1 =	sshll.u32 s1, $0x11  }
0xbb: {  	s0 =	sor.u32 s1, s0  }
0xbc: {  	s0 =	sadd.s32 $0x8F2B, s0  }
0xbd: {  	[sflag:s0] =	ssyncadd.remote.s32 $0x1  }
0xbe: {  	_ =	sfence.sel $0xFFFF  }
0xbf: {  	[dreg:$0x0] =	wrdreg $0xFFFFFFFF;
	(pc) =	sbr.abs _section_cstart, $3  }
0xc0: {  	[dreg:$0x1] =	wrdreg $0xFFFFFFFF  }
0xc1: {  	_ =	task.clear_ibuf [dreg:s7], $0x2FFFF;
	_ =	strace $0x9FFFFFFF  }
0xc2: {  	(tm) =	ssettm $0x7FFFFFFF  }
0xc3: {  	_ =	shalt  }
tec
execute0_lowered:
.L_overlay_start_1:
0x0: {  	(tag) =	ssettag $0x1  }
0x1: {  	s1 =	srdreg.scid  }
0x2: {  	s3 =	rddreg [dreg:$0x0];
	s0 =	stileid.u32  }
0x3: {  	s5 =	rddreg [dreg:$0x1];
	s2 =	simm.s32 $0x0;
	s9 =	simm.s32 $0x4000  }
0x4: {  	s10 =	simm.s32 $0x2;
	s11 =	simm.s32 $0x80;
	s12 =	simm.s32 $0x400  }
0x5: {  	s13 =	simm.s32 $0x800;
	s14 =	simm.s32 $0x480;
	s15 =	simm.s32 $0x2800  }
0x6: {  	s16 =	simm.s32 $0x500;
	s17 =	simm.s32 $0x4800;
	s18 =	simm.s32 $0x580  }
0x7: {  	s19 =	simm.s32 $0x6800;
	s20 =	simm.s32 $0x600;
	s21 =	simm.s32 $0x8800  }
0x8: {  	s22 =	simm.s32 $0x680;
	s23 =	simm.s32 $0xA800;
	s24 =	simm.s32 $0x700  }
0x9: {  	s25 =	simm.s32 $0xC800;
	s26 =	simm.s32 $0x780;
	s28 =	simm.s32 $0xE800  }
0xa: {  	s29 =	simm.s32 $0x1;
	s30 =	simm.s32 $0x40;
	s4 =	sand.u32 $0x1, s1  }
0xb: {  	s6 =	sshll.u32 s0, $0xA;
	s1 =	rddreg [dreg:$0x2];
	s7 =	sshll.u32 s4, $0x9  }
0xc: {  	[smem:$0x7FF] =	sst s2;
	s4 =	ssub.s32 $0x2, s4;
	s6 =	sor.u32 s7, s6  }
0xd: {  	_ =	strace $0x80000047;
	s8 =	sshrl.u32 s4, $0x1;
	s7 =	sshrl.u32 s6, $0x3  }
0xe: {  	s6 =	sshll.u32 s6, $0x4;
	s8 =	ssub.s32 s4, s8;
	s7 =	sadd.s32 s7, s3  }
0xf: {  	s3 =	sadd.s32 $0x1400, s3;
	s5 =	sadd.s32 s5, s6;
	s4 =	sadd.s32 $0x400, s7  }
0x10: {  	s6 =	sadd.s32 $0x8, s5;
	s7 =	smax.u32 s8, $0x1;
	s8 =	simm.s32 $0x200  }
.LBB2_1:
0x11: {  	[tilespmem:s2], [sflag:$0x2] =	stream.strided.gather [hbm4b:s4+s8], $0x400, s9, s8, $0x38;
	[tilespmem:$0x10800] =	vst v63  }
0x12: {  	_ =	swait.ge [sflag:s10], $0x400  }
0x13: {  	[sflag:s10] =	ssyncset.done $0x0  }
0x14: {  	[sflag:s10] =	ssyncadd.s32 $0xFFFFFC00  }
0x15: {  	v0 =	vld [tilespmem:$0x0]  }
0x16: {  	v1 =	vld [tilespmem:$0x200]  }
0x17: {  	v2 =	vld [tilespmem:$0x10]  }
0x18: {  	v3 =	vld [tilespmem:$0x210]  }
0x19: {  	v4 =	vld [tilespmem:$0x20]  }
0x1a: {  	v5 =	vld [tilespmem:$0x220]  }
0x1b: {  	v6 =	vld [tilespmem:$0x30]  }
0x1c: {  	v7 =	vld [tilespmem:$0x230]  }
0x1d: {  	v8 =	vld [tilespmem:$0x40]  }
0x1e: {  	v9 =	vld [tilespmem:$0x240]  }
0x1f: {  	v10 =	vld [tilespmem:$0x50]  }
0x20: {  	v11 =	vld [tilespmem:$0x250]  }
0x21: {  	v12 =	vld [tilespmem:$0x60]  }
0x22: {  	v13 =	vld [tilespmem:$0x260]  }
0x23: {  	v14 =	vld [tilespmem:$0x70]  }
0x24: {  	v15 =	vld [tilespmem:$0x270]  }
0x25: {  	v16 =	vld [tilespmem:$0x80]  }
0x26: {  	v17 =	vld [tilespmem:$0x280]  }
0x27: {  	v18 =	vld [tilespmem:$0x90]  }
0x28: {  	v19 =	vld [tilespmem:$0x290]  }
0x29: {  	v20 =	vld [tilespmem:$0xA0];
	v0 =	vmul.f32 $1.000000000e+05, v0  }
0x2a: {  	v21 =	vld [tilespmem:$0x2A0];
	v1 =	vmul.f32 $1.000000000e+05, v1;
	v2 =	vmul.f32 $1.000000000e+05, v2  }
0x2b: {  	v22 =	vld [tilespmem:$0xB0];
	v3 =	vmul.f32 $1.000000000e+05, v3;
	v4 =	vmul.f32 $1.000000000e+05, v4  }
0x2c: {  	v23 =	vld [tilespmem:$0x2B0];
	v5 =	vmul.f32 $1.000000000e+05, v5;
	v6 =	vmul.f32 $1.000000000e+05, v6  }
0x2d: {  	v24 =	vld [tilespmem:$0xC0];
	v7 =	vmul.f32 $1.000000000e+05, v7;
	v8 =	vmul.f32 $1.000000000e+05, v8  }
0x2e: {  	v25 =	vld [tilespmem:$0x2C0];
	v9 =	vmul.f32 $1.000000000e+05, v9;
	v10 =	vmul.f32 $1.000000000e+05, v10  }
0x2f: {  	v26 =	vld [tilespmem:$0xD0];
	v11 =	vmul.f32 $1.000000000e+05, v11;
	v12 =	vmul.f32 $1.000000000e+05, v12  }
0x30: {  	v27 =	vld [tilespmem:$0x2D0];
	v13 =	vmul.f32 $1.000000000e+05, v13;
	v14 =	vmul.f32 $1.000000000e+05, v14  }
0x31: {  	v39 =	vld [tilespmem:$0x2E0];
	v15 =	vmul.f32 $1.000000000e+05, v15;
	v16 =	vmul.f32 $1.000000000e+05, v16  }
0x32: {  	v43 =	vld [tilespmem:$0xF0];
	v17 =	vmul.f32 $1.000000000e+05, v17;
	v18 =	vmul.f32 $1.000000000e+05, v18  }
0x33: {  	v55 =	vld [tilespmem:$0x300];
	v19 =	vmul.f32 $1.000000000e+05, v19;
	v20 =	vmul.f32 $1.000000000e+05, v20  }
0x34: {  	v58 =	vld [tilespmem:$0x110];
	v21 =	vmul.f32 $1.000000000e+05, v21;
	v22 =	vmul.f32 $1.000000000e+05, v22  }
0x35: {  	v23 =	vmul.f32 $1.000000000e+05, v23;
	v24 =	vmul.f32 $1.000000000e+05, v24  }
0x36: {  	v36 =	vmul.f32 $1.000000000e+05, v25;
	v38 =	vmul.f32 $1.000000000e+05, v26  }
0x37: {  	v42 =	vmul.f32 $1.000000000e+05, v27;
	v52 =	vmul.f32 $1.000000000e+05, v39  }
0x38: {  	v54 =	vmul.f32 $1.000000000e+05, v43;
	v26 =	vmul.f32 $1.000000000e+05, v55  }
0x39: {  	v28 =	vmul.f32 $1.000000000e+05, v58;
	v0 =	vtrunc.f32 v0  }
0x3a: {  	v1 =	vtrunc.f32 v1;
	v2 =	vtrunc.f32 v2  }
0x3b: {  	v3 =	vtrunc.f32 v3;
	v4 =	vtrunc.f32 v4  }
0x3c: {  	v5 =	vtrunc.f32 v5;
	v6 =	vtrunc.f32 v6  }
0x3d: {  	v7 =	vtrunc.f32 v7;
	v8 =	vtrunc.f32 v8  }
0x3e: {  	v9 =	vtrunc.f32 v9;
	v10 =	vtrunc.f32 v10  }
0x3f: {  	v11 =	vtrunc.f32 v11;
	v12 =	vtrunc.f32 v12  }
0x40: {  	v13 =	vtrunc.f32 v13;
	v14 =	vtrunc.f32 v14  }
0x41: {  	v15 =	vtrunc.f32 v15;
	v16 =	vtrunc.f32 v16  }
0x42: {  	v17 =	vtrunc.f32 v17;
	v18 =	vtrunc.f32 v18  }
0x43: {  	v19 =	vtrunc.f32 v19;
	v20 =	vtrunc.f32 v20  }
0x44: {  	v21 =	vtrunc.f32 v21;
	v22 =	vtrunc.f32 v22  }
0x45: {  	v23 =	vtrunc.f32 v23;
	v35 =	vtrunc.f32 v24  }
0x46: {  	v41 =	vtrunc.f32 v36;
	v47 =	vtrunc.f32 v42  }
0x47: {  	v57 =	vtrunc.f32 v52;
	v0 =	vcvt.f32.s32 v0  }
0x48: {  	v1 =	vcvt.f32.s32 v1;
	v2 =	vcvt.f32.s32 v2  }
0x49: {  	v3 =	vcvt.f32.s32 v3;
	v4 =	vcvt.f32.s32 v4  }
0x4a: {  	v5 =	vcvt.f32.s32 v5;
	v6 =	vcvt.f32.s32 v6  }
0x4b: {  	v7 =	vcvt.f32.s32 v7;
	v8 =	vcvt.f32.s32 v8  }
0x4c: {  	v9 =	vcvt.f32.s32 v9;
	v10 =	vcvt.f32.s32 v10  }
0x4d: {  	v11 =	vcvt.f32.s32 v11;
	v12 =	vcvt.f32.s32 v12;
	v0 =	vshll.u32 v0, $0x1  }
0x4e: {  	v13 =	vcvt.f32.s32 v13;
	v14 =	vcvt.f32.s32 v14;
	v32 =	vshll.u32 v1, $0x1;
	[tilespmem:$0x400] =	vst v0  }
0x4f: {  	v15 =	vcvt.f32.s32 v15;
	v16 =	vcvt.f32.s32 v16;
	v34 =	vshll.u32 v2, $0x1;
	[tilespmem:$0x600] =	vst v32  }
0x50: {  	v33 =	vld [tilespmem:$0xE0];
	v17 =	vcvt.f32.s32 v17;
	v18 =	vcvt.f32.s32 v18;
	v37 =	vshll.u32 v3, $0x1;
	[tilespmem:$0x410] =	vst v34  }
0x51: {  	v45 =	vld [tilespmem:$0x2F0];
	v19 =	vcvt.f32.s32 v19;
	v20 =	vcvt.f32.s32 v20;
	v40 =	vshll.u32 v4, $0x1;
	[tilespmem:$0x610] =	vst v37  }
0x52: {  	v49 =	vld [tilespmem:$0x100];
	v21 =	vcvt.f32.s32 v21;
	v1 =	vcvt.f32.s32 v22;
	v44 =	vshll.u32 v5, $0x1;
	[tilespmem:$0x420] =	vst v40  }
0x53: {  	v60 =	vld [tilespmem:$0x310];
	v22 =	vcvt.f32.s32 v23;
	v2 =	vcvt.f32.s32 v35;
	v46 =	vshll.u32 v6, $0x1;
	[tilespmem:$0x620] =	vst v44  }
0x54: {  	v63 =	vld [tilespmem:$0x120];
	v4 =	vcvt.f32.s32 v41;
	v3 =	vtrunc.f32 v38;
	v48 =	vshll.u32 v7, $0x1;
	[tilespmem:$0x430] =	vst v46  }
0x55: {  	v29 =	vld [tilespmem:$0x320];
	v23 =	vmul.f32 $1.000000000e+05, v33;
	v6 =	vcvt.f32.s32 v47;
	v50 =	vshll.u32 v8, $0x1;
	[tilespmem:$0x630] =	vst v48  }
0x56: {  	v31 =	vld [tilespmem:$0x130];
	v53 =	vshll.u32 v9, $0x1;
	v56 =	vshll.u32 v10, $0x1;
	v5 =	vmul.f32 $1.000000000e+05, v45;
	[tilespmem:$0x440] =	vst v50  }
0x57: {  	v39 =	vld [tilespmem:$0x340];
	v59 =	vshll.u32 v11, $0x1;
	v10 =	vcvt.f32.s32 v57;
	v9 =	vtrunc.f32 v54;
	[tilespmem:$0x640] =	vst v53  }
0x58: {  	v61 =	vshll.u32 v12, $0x1;
	v7 =	vmul.f32 $1.000000000e+05, v49;
	v62 =	vshll.u32 v13, $0x1;
	[tilespmem:$0x450] =	vst v56  }
0x59: {  	v43 =	vld [tilespmem:$0x150];
	v25 =	vshll.u32 v14, $0x1;
	v13 =	vtrunc.f32 v26;
	v11 =	vmul.f32 $1.000000000e+05, v60;
	[tilespmem:$0x650] =	vst v59  }
0x5a: {  	v27 =	vshll.u32 v15, $0x1;
	v14 =	vtrunc.f32 v28;
	v12 =	vmul.f32 $1.000000000e+05, v63;
	[tilespmem:$0x460] =	vst v61  }
0x5b: {  	v30 =	vshll.u32 v16, $0x1;
	v15 =	vmul.f32 $1.000000000e+05, v29;
	v16 =	vmul.f32 $1.000000000e+05, v31;
	[tilespmem:$0x660] =	vst v62  }
0x5c: {  	v35 =	vshll.u32 v19, $0x1;
	v54 =	vmul.f32 $1.000000000e+05, v39;
	v3 =	vcvt.f32.s32 v3;
	[tilespmem:$0x470] =	vst v25  }
0x5d: {  	v36 =	vld [tilespmem:$0x140];
	v38 =	vshll.u32 v21, $0x1;
	v9 =	vcvt.f32.s32 v9;
	[tilespmem:$0x670] =	vst v27;
	v13 =	vcvt.f32.s32 v13  }
0x5e: {  	[tilespmem:$0x480] =	vst v30;
	v32 =	vshll.u32 v17, $0x1;
	v14 =	vcvt.f32.s32 v14;
	v56 =	vmul.f32 $1.000000000e+05, v43  }
0x5f: {  	v34 =	vshll.u32 v18, $0x1;
	[tilespmem:$0x690] =	vst v35;
	v51 =	vtrunc.f32 v23;
	v5 =	vtrunc.f32 v5  }
0x60: {  	v37 =	vshll.u32 v20, $0x1;
	[tilespmem:$0x6A0] =	vst v38;
	v7 =	vtrunc.f32 v7;
	v11 =	vtrunc.f32 v11  }
0x61: {  	v33 =	vld [tilespmem:$0x330];
	[tilespmem:$0x680] =	vst v32;
	v12 =	vtrunc.f32 v12;
	v40 =	vshll.u32 v1, $0x1;
	v41 =	vtrunc.f32 v15  }
0x62: {  	v45 =	vld [tilespmem:$0x350];
	[tilespmem:$0x490] =	vst v34;
	v44 =	vshll.u32 v22, $0x1;
	v16 =	vtrunc.f32 v16;
	v48 =	vmul.f32 $1.000000000e+05, v36  }
0x63: {  	v57 =	vld [tilespmem:$0x360];
	[tilespmem:$0x4A0] =	vst v37;
	v46 =	vshll.u32 v2, $0x1;
	v59 =	vtrunc.f32 v54;
	v8 =	vcvt.f32.s32 v51  }
0x64: {  	v63 =	vld [tilespmem:$0x370];
	v49 =	vshll.u32 v4, $0x1;
	v5 =	vcvt.f32.s32 v5;
	v7 =	vcvt.f32.s32 v7;
	[tilespmem:$0x4B0] =	vst v40  }
0x65: {  	v31 =	vld [tilespmem:$0x380];
	v55 =	vshll.u32 v6, $0x1;
	v11 =	vcvt.f32.s32 v11;
	v12 =	vcvt.f32.s32 v12;
	[tilespmem:$0x6B0] =	vst v44  }
0x66: {  	v61 =	vld [tilespmem:$0x170];
	v62 =	vshll.u32 v10, $0x1;
	v1 =	vcvt.f32.s32 v41;
	[tilespmem:$0x4C0] =	vst v46;
	v50 =	vcvt.f32.s32 v16  }
0x67: {  	v25 =	vld [tilespmem:$0x180];
	[tilespmem:$0x6C0] =	vst v49;
	v52 =	vshll.u32 v3, $0x1;
	v6 =	vtrunc.f32 v56;
	v53 =	vtrunc.f32 v48  }
0x68: {  	v17 =	vld [tilespmem:$0x3C0];
	[tilespmem:$0x6D0] =	vst v55;
	v19 =	vshll.u32 v9, $0x1;
	v23 =	vcvt.f32.s32 v6;
	v42 =	vmul.f32 $1.000000000e+05, v33  }
0x69: {  	[tilespmem:$0x6E0] =	vst v62;
	v29 =	vshll.u32 v13, $0x1;
	v3 =	vcvt.f32.s32 v53;
	v60 =	vmul.f32 $1.000000000e+05, v45  }
0x6a: {  	[tilespmem:$0x4D0] =	vst v52;
	v58 =	vshll.u32 v8, $0x1;
	v8 =	vcvt.f32.s32 v59;
	v28 =	vmul.f32 $1.000000000e+05, v57  }
0x6b: {  	v54 =	vld [tilespmem:$0x3B0];
	v32 =	vshll.u32 v14, $0x1;
	[tilespmem:$0x4F0] =	vst v19;
	v10 =	vmul.f32 $1.000000000e+05, v63;
	v44 =	vmul.f32 $1.000000000e+05, v31  }
0x6c: {  	v51 =	vld [tilespmem:$0x160];
	[tilespmem:$0x700] =	vst v29;
	v22 =	vshll.u32 v5, $0x1;
	v30 =	vmul.f32 $1.000000000e+05, v61;
	v9 =	vmul.f32 $1.000000000e+05, v25  }
0x6d: {  	[tilespmem:$0x510] =	vst v32;
	v26 =	vshll.u32 v7, $0x1;
	v31 =	vmul.f32 $1.000000000e+05, v17;
	v47 =	vtrunc.f32 v42  }
0x6e: {  	v34 =	vld [tilespmem:$0x190];
	v35 =	vshll.u32 v11, $0x1;
	[tilespmem:$0x4E0] =	vst v58;
	v20 =	vtrunc.f32 v60;
	v33 =	vtrunc.f32 v28  }
0x6f: {  	v37 =	vld [tilespmem:$0x390];
	[tilespmem:$0x6F0] =	vst v22;
	v10 =	vtrunc.f32 v10;
	v42 =	vshll.u32 v50, $0x1;
	v50 =	vtrunc.f32 v44  }
0x70: {  	v41 =	vld [tilespmem:$0x1A0];
	[tilespmem:$0x500] =	vst v26;
	v53 =	vshll.u32 v8, $0x1;
	v8 =	vmul.f32 $1.000000000e+05, v54;
	v2 =	vcvt.f32.s32 v47  }
0x71: {  	v48 =	vld [tilespmem:$0x3A0];
	v38 =	vshll.u32 v12, $0x1;
	[tilespmem:$0x710] =	vst v35;
	v21 =	vmul.f32 $1.000000000e+05, v51;
	v24 =	vcvt.f32.s32 v20  }
0x72: {  	v52 =	vld [tilespmem:$0x1B0];
	v39 =	vshll.u32 v1, $0x1;
	[tilespmem:$0x520] =	vst v38;
	v36 =	vcvt.f32.s32 v33;
	v13 =	vtrunc.f32 v30  }
0x73: {  	[tilespmem:$0x720] =	vst v39;
	v55 =	vshll.u32 v23, $0x1;
	v10 =	vcvt.f32.s32 v10;
	v43 =	vtrunc.f32 v9  }
0x74: {  	[tilespmem:$0x550] =	vst v55;
	v47 =	vmul.f32 $1.000000000e+05, v34;
	v51 =	vmul.f32 $1.000000000e+05, v37  }
0x75: {  	v59 =	vld [tilespmem:$0x1C0];
	v49 =	vshll.u32 v3, $0x1;
	[tilespmem:$0x530] =	vst v42;
	v3 =	vcvt.f32.s32 v50;
	v57 =	vmul.f32 $1.000000000e+05, v41  }
0x76: {  	[tilespmem:$0x540] =	vst v49;
	v40 =	vcvt.f32.s32 v13;
	v46 =	vcvt.f32.s32 v43  }
0x77: {  	[tilespmem:$0x740] =	vst v53;
	v62 =	vmul.f32 $1.000000000e+05, v48;
	v16 =	vmul.f32 $1.000000000e+05, v52;
	v45 =	vshll.u32 v2, $0x1  }
0x78: {  	v25 =	vtrunc.f32 v8;
	v27 =	vtrunc.f32 v21;
	v58 =	vshll.u32 v24, $0x1;
	[tilespmem:$0x730] =	vst v45  }
0x79: {  	v23 =	vld [tilespmem:$0x3D0];
	v4 =	vtrunc.f32 v47;
	v56 =	vtrunc.f32 v51;
	v63 =	vshll.u32 v36, $0x1;
	[tilespmem:$0x750] =	vst v58  }
0x7a: {  	v61 =	vtrunc.f32 v57;
	v21 =	vshll.u32 v10, $0x1;
	v6 =	vmul.f32 $1.000000000e+05, v59;
	[tilespmem:$0x760] =	vst v63  }
0x7b: {  	v28 =	vld [tilespmem:$0x1E0];
	v26 =	vshll.u32 v3, $0x1;
	v2 =	vcvt.f32.s32 v25;
	v7 =	vcvt.f32.s32 v27;
	[tilespmem:$0x770] =	vst v21  }
0x7c: {  	v4 =	vcvt.f32.s32 v4;
	v5 =	vcvt.f32.s32 v56;
	v18 =	vshll.u32 v40, $0x1;
	[tilespmem:$0x780] =	vst v26  }
0x7d: {  	v20 =	vld [tilespmem:$0x1D0];
	v19 =	vtrunc.f32 v62;
	v22 =	vtrunc.f32 v16;
	v24 =	vshll.u32 v46, $0x1;
	[tilespmem:$0x570] =	vst v18  }
0x7e: {  	v34 =	vld [tilespmem:$0x3E0];
	v36 =	vmul.f32 $1.000000000e+05, v23;
	v1 =	vcvt.f32.s32 v19;
	[tilespmem:$0x580] =	vst v24;
	v44 =	vshll.u32 v2, $0x1  }
0x7f: {  	v37 =	vld [tilespmem:$0x1F0];
	v27 =	vcvt.f32.s32 v22;
	v30 =	vtrunc.f32 v6;
	v60 =	vshll.u32 v7, $0x1;
	[tilespmem:$0x7B0] =	vst v44  }
0x80: {  	v6 =	vtrunc.f32 v31;
	v43 =	vmul.f32 $1.000000000e+05, v28;
	v29 =	vshll.u32 v4, $0x1;
	[tilespmem:$0x560] =	vst v60  }
0x81: {  	v7 =	vcvt.f32.s32 v61;
	v32 =	vshll.u32 v5, $0x1;
	v4 =	vcvt.f32.s32 v30;
	[tilespmem:$0x590] =	vst v29  }
0x82: {  	v40 =	vld [tilespmem:$0x3F0];
	v33 =	vmul.f32 $1.000000000e+05, v20;
	v39 =	vcvt.f32.s32 v6;
	[tilespmem:$0x790] =	vst v32;
	v38 =	vshll.u32 v1, $0x1  }
0x83: {  	v42 =	vtrunc.f32 v36;
	v48 =	vmul.f32 $1.000000000e+05, v34;
	v41 =	vshll.u32 v27, $0x1;
	[tilespmem:$0x7A0] =	vst v38  }
0x84: {  	v51 =	vmul.f32 $1.000000000e+05, v37;
	v3 =	vcvt.f32.s32 v42;
	v35 =	vshll.u32 v7, $0x1;
	[tilespmem:$0x5B0] =	vst v41  }
0x85: {  	v47 =	vtrunc.f32 v43;
	v5 =	vtrunc.f32 v33;
	v46 =	vshll.u32 v4, $0x1;
	[tilespmem:$0x5A0] =	vst v35  }
0x86: {  	v49 =	vshll.u32 v39, $0x1;
	v50 =	vcvt.f32.s32 v47;
	v53 =	vtrunc.f32 v48;
	[tilespmem:$0x5C0] =	vst v46  }
0x87: {  	v45 =	vcvt.f32.s32 v5;
	[tilespmem:$0x7C0] =	vst v49;
	v54 =	vmul.f32 $1.000000000e+05, v40;
	v55 =	vshll.u32 v3, $0x1  }
0x88: {  	v56 =	vtrunc.f32 v51;
	v2 =	vcvt.f32.s32 v53;
	[tilespmem:$0x7D0] =	vst v55;
	v57 =	vshll.u32 v50, $0x1  }
0x89: {  	v58 =	vcvt.f32.s32 v56;
	v52 =	vshll.u32 v45, $0x1;
	v59 =	vtrunc.f32 v54;
	[tilespmem:$0x5E0] =	vst v57  }
0x8a: {  	v60 =	vshll.u32 v2, $0x1;
	[tilespmem:$0x5D0] =	vst v52;
	v61 =	vcvt.f32.s32 v59  }
0x8b: {  	v62 =	vshll.u32 v58, $0x1;
	[tilespmem:$0x7E0] =	vst v60  }
0x8c: {  	[tilespmem:$0x5F0] =	vst v62;
	v63 =	vshll.u32 v61, $0x1  }
0x8d: {  	[tilespmem:$0x7F0] =	vst v63  }
0x8e: {  	[tilespmem:s13], [sflag:$0x1] =	stream.indirect.gather [hbm4b:s3+s11], $0x40, s12, s11, $0xb8;
	[tilespmem:$0x10800] =	vst v63  }
0x8f: {  	_ = 	snop  }
0x90: {  	[tilespmem:s15], [sflag:$0x1] =	stream.indirect.gather [hbm4b:s3+s11], $0x40, s14, s11, $0xb8;
	[tilespmem:$0x10800] =	vst v63  }
0x91: {  	_ = 	snop  }
0x92: {  	[tilespmem:s17], [sflag:$0x1] =	stream.indirect.gather [hbm4b:s3+s11], $0x40, s16, s11, $0xb8;
	[tilespmem:$0x10800] =	vst v63  }
0x93: {  	_ = 	snop  }
0x94: {  	[tilespmem:s19], [sflag:$0x1] =	stream.indirect.gather [hbm4b:s3+s11], $0x40, s18, s11, $0xb8;
	[tilespmem:$0x10800] =	vst v63  }
0x95: {  	_ = 	snop  }
0x96: {  	[tilespmem:s21], [sflag:$0x1] =	stream.indirect.gather [hbm4b:s3+s11], $0x40, s20, s11, $0xb8;
	[tilespmem:$0x10800] =	vst v63  }
0x97: {  	_ = 	snop  }
0x98: {  	[tilespmem:s23], [sflag:$0x1] =	stream.indirect.gather [hbm4b:s3+s11], $0x40, s22, s11, $0xb8;
	[tilespmem:$0x10800] =	vst v63  }
0x99: {  	_ = 	snop  }
0x9a: {  	[tilespmem:s25], [sflag:$0x1] =	stream.indirect.gather [hbm4b:s3+s11], $0x40, s24, s11, $0xb8;
	[tilespmem:$0x10800] =	vst v63  }
0x9b: {  	_ = 	snop  }
0x9c: {  	[tilespmem:s28], [sflag:$0x1] =	stream.indirect.gather [hbm4b:s3+s11], $0x40, s26, s11, $0xb8;
	[tilespmem:$0x10800] =	vst v63  }
0x9d: {  	_ =	swait.ge [sflag:s29], $0x2000  }
0x9e: {  	[sflag:s29] =	ssyncset.done $0x0  }
0x9f: {  	[sflag:s29] =	ssyncadd.s32 $0xFFFFE000  }
0xa0: {  	_ =	swait.ge [sflag:s29], $0x2000  }
0xa1: {  	[sflag:s29] =	ssyncset.done $0x0  }
0xa2: {  	[sflag:s29] =	ssyncadd.s32 $0xFFFFE000  }
0xa3: {  	_ =	swait.ge [sflag:s29], $0x2000  }
0xa4: {  	[sflag:s29] =	ssyncset.done $0x0  }
0xa5: {  	[sflag:s29] =	ssyncadd.s32 $0xFFFFE000  }
0xa6: {  	_ =	swait.ge [sflag:s29], $0x2000  }
0xa7: {  	[sflag:s29] =	ssyncset.done $0x0  }
0xa8: {  	[sflag:s29] =	ssyncadd.s32 $0xFFFFE000  }
0xa9: {  	_ =	swait.ge [sflag:s29], $0x2000  }
0xaa: {  	[sflag:s29] =	ssyncset.done $0x0  }
0xab: {  	[sflag:s29] =	ssyncadd.s32 $0xFFFFE000  }
0xac: {  	_ =	swait.ge [sflag:s29], $0x2000  }
0xad: {  	[sflag:s29] =	ssyncset.done $0x0  }
0xae: {  	[sflag:s29] =	ssyncadd.s32 $0xFFFFE000  }
0xaf: {  	_ =	swait.ge [sflag:s29], $0x2000  }
0xb0: {  	[sflag:s29] =	ssyncset.done $0x0  }
0xb1: {  	[sflag:s29] =	ssyncadd.s32 $0xFFFFE000  }
0xb2: {  	_ =	swait.ge [sflag:s29], $0x2000  }
0xb3: {  	[sflag:s29] =	ssyncset.done $0x0  }
0xb4: {  	[sflag:s29] =	ssyncadd.s32 $0xFFFFE000  }
0xb5: {  	[hbm4b:s5+s30] =	stream.strided.scatter [tilespmem:s13], [sflag:$0x2], $0x8000, s11, s30, $0x38;
	[tilespmem:$0x10800] =	vst v63  }
0xb6: {  	_ =	swait.ge [sflag:s10], $0x8000  }
0xb7: {  	p0 =	sne.s32 s7, $0x1;
	[sflag:s10] =	ssyncset.done $0x0  }
.Ltmp0:
0xb8: {  	[sflag:s10] =	ssyncadd.s32 $0xFFFF8000;
	(pc) =	sbr.rel @p0 .LBB2_1-.Ltmp0, $4  }
0xb9: {  	[hbm4b:s6+s30] =	stream.strided.scatter [tilespmem:s21], [sflag:$0x2], $0x8000, s11, s30, $0x38;
	[tilespmem:$0x10800] =	vst v63  }
0xba: {  	_ =	swait.ge [sflag:s10], $0x8000  }
0xbb: {  	[sflag:s10] =	ssyncset.done $0x0  }
0xbc: {  	s7 =	sadd.s32 $0xFFFFFFFF, s7;
	[sflag:s10] =	ssyncadd.s32 $0xFFFF8000  }
0xbd: {  	_ =	sfence.sel $0x180000  }
0xbe: {  	[bflag:$0x0] =	sbarrier.arrive $0xFFFF  }
0xbf: {  	p0 =	sne.s32 s0, $0x0;
	_ =	strace $0x90000047  }
0xc0: {  	s0 =	sadd.s32 @!p0 $0x100000, s1;
	[bflag:$0x2] =	sbarrier.arrive $0xFFFF  }
0xc1: {  	[sflag:s0] =	ssyncadd.tile.s32 @!p0 $0x1;
	_ =	shalt  }
.Lfunc_end2:
_tile_overlayer_lowered:
.L_overlay_start_2:
0xc2: {  	(tag) =	ssettag $0x2  }
0xc3: {  	s0 =	rddreg [dreg:$0x0];
	s2 =	stileid.u32  }
0xc4: {  	s1 =	rddreg [dreg:$0x1];
	p0 =	sne.s32 s2, $0x0  }
0xc5: {  	s3 =	rddreg [dreg:$0x2];
	[bflag:$0x3] =	sbarrier.arrive $0xFFFF;
	s2 =	simm.s32 @!p0 $0x1C02  }
0xc6: {  	[timem:s3], [sflag:s2] =	dma.local @!p0 [hbm:s0], s1  }
0xc7: {  	s0 =	simm.s32 @!p0 $0x2  }
0xc8: {  	_ =	swait.ge @!p0 [sflag:s0], s1  }
0xc9: {  	s1 =	ssub.s32 @!p0 $0x0, s1;
	[sflag:s0] =	ssyncset.done @!p0 $0x0  }
0xca: {  	[sflag:s0] =	ssyncadd.s32 @!p0 s1  }
0xcb: {  	[bflag:$0x3] =	sbarrier.arrive $0xFFFF  }
0xcc: {  	_ =	shalt  }

</sc_bundles>
